<compile_context>
chip_gen: v7x
topology: tpu7x:2x2x1
jax: 0.10.2.dev20260603
libtpu: 0.0.44.dev20260713+nightly
codegen_flags: <defaults>
</compile_context>

<pallas_src>
import functools
import jax
import jax.numpy as jnp
from jax import lax
from jax.experimental import pallas as pl
from jax.experimental.pallas import tpu as pltpu
from jax.experimental.pallas import tpu_sc as plsc

NC, NS, L = 2, 16, 16
NW = NC * NS
N, D = 16384, 128
RPW = N // NW
NV = D // L


def _perm(v, idx):
    return lax.gather(
        v,
        idx[:, None],
        lax.GatherDimensionNumbers(
            offset_dims=(), collapsed_slice_dims=(0,), start_index_map=(0,)
        ),
        slice_sizes=(1,),
        mode=lax.GatherScatterMode.PROMISE_IN_BOUNDS,
    )


def _comb(a, b, idx, m):
    return jnp.where(m, a + _perm(a, idx), b + _perm(b, idx))


def _rownorm_body(z_hbm, out_hbm, zbuf, obuf):
    wid = lax.axis_index("c") * NS + lax.axis_index("s")
    base = wid * RPW
    pltpu.sync_copy(z_hbm.at[pl.ds(base, RPW)], zbuf)

    lane = lax.iota(jnp.int32, L)
    idx8 = (lane + 8) & 15
    idx4 = (lane & 8) | ((lane + 4) & 7)
    idx2 = (lane & 12) | ((lane + 2) & 3)
    idx1 = lane ^ 1
    m8 = lane < 8
    m4 = (lane & 4) == 0
    m2 = (lane & 2) == 0
    m1 = (lane & 1) == 0

    @plsc.parallel_loop(0, RPW // L, 1)
    def group(g):
        row0 = g * L
        vs = []
        for r in range(L):
            acc = None
            for c in range(NV):
                z = zbuf[row0 + r, pl.ds(c * L, L)]
                sq = z * z
                acc = sq if acc is None else acc + sq
            vs.append(acc)
        w = [_comb(vs[i], vs[i + 8], idx8, m8) for i in range(8)]
        w = [_comb(w[i], w[i + 4], idx4, m4) for i in range(4)]
        w = [_comb(w[i], w[i + 2], idx2, m2) for i in range(2)]
        final = _comb(w[0], w[1], idx1, m1)
        obuf[pl.ds(row0, L)] = final * -0.5

    pltpu.sync_copy(obuf, out_hbm.at[pl.ds(base, RPW)])


@functools.partial(
    pl.kernel,
    out_type=jax.ShapeDtypeStruct((N,), jnp.float32),
    mesh=plsc.VectorSubcoreMesh(core_axis_name="c", subcore_axis_name="s"),
    scratch_types=[
        pltpu.VMEM((RPW, D), jnp.float32),
        pltpu.VMEM((RPW,), jnp.float32),
    ],
)
def _rownorm(z_hbm, out_hbm, zbuf, obuf):
    _rownorm_body(z_hbm, out_hbm, zbuf, obuf)


def kernel(Z, labels):
    del labels
    return _rownorm(Z)

# --- scband reference (transcript-rebuilt; emitter-appended) ---
"""Pipeline reference for scband-conditional-noise-gen-36146444763700 (READ-ONLY COPY).

The authoritative reference and input builder live on the scoring server;
editing this copy changes nothing except your own understanding.
"""

import jax, jax.numpy as jnp
import numpy as np


def setup_inputs(seed: int = 0) -> dict:
    key = jax.random.key(seed)
    k1, k2 = jax.random.split(key)
    Z = jax.random.normal(k1, (16384, 128), dtype=jnp.float32)
    labels = jax.random.randint(k2, (16384,), 0, 1000, dtype=jnp.int32)
    return {"Z": Z, "labels": labels}


def reference(Z, labels):
    # Faithful translation of ConditionalNoiseGen.log_prob(noise=(Z, labels)):
    #   prob = -0.5 * torch.norm(Z, dim=1) ** 2
    # labels is carried in the noise tuple but unused by log_prob.
    prob = -0.5 * jnp.linalg.norm(Z, axis=1) ** 2
    return prob

if __name__ == "__main__":
    import jax
    _d = setup_inputs()
    print(jax.jit(kernel)(*tuple(_d.values())))

</pallas_src>

<mosaic_0001>
#map = affine_map<(d0, d1) -> (0, 0)>
#map1 = affine_map<(d0, d1) -> (0)>
module attributes {stable_mosaic.version = 14 : i64} {
  func.func @_rownorm(%arg0: i32, %arg1: i32, %arg2: memref<16384x128xf32, #tpu.memory_space<hbm>>, %arg3: memref<16384xf32, #tpu.memory_space<hbm>>, %arg4: memref<512x128xf32, #tpu.memory_space<vmem>>, %arg5: memref<512xf32, #tpu.memory_space<vmem>>) attributes {dimension_semantics = [#tpu.dimension_semantics<core_parallel>, #tpu.dimension_semantics<subcore_parallel>], iteration_bounds = array<i64: 2, 16>, scalar_prefetch = 0 : i64, scratch_operands = 2 : i64, tpu.core_type = #tpu.core_type<sc_vector_subcore>, window_params = [{transform_indices = #map}, {transform_indices = #map1}]} {
    %mul3A = arith.constant 16 : i32
    %mul3A_0 = arith.muli %arg0, %mul3A : i32
    %add3A = arith.addi %mul3A_0, %arg1 : i32
    %mul3A_1 = arith.constant 512 : i32
    %mul3A_2 = arith.muli %add3A, %mul3A_1 : i32
    "tpu.region"() ({
      %run_scoped3A = tpu.sem_alloc : memref<!tpu.dma_semaphore, #tpu.memory_space<semaphore_mem>>
      %dma_start3A = arith.constant 0 : i32
      %dma_start3A_50 = tpu.memref_slice %arg2[%mul3A_2, %dma_start3A] : memref<16384x128xf32, #tpu.memory_space<hbm>> -> memref<512x128xf32, #tpu.memory_space<hbm>>
      %dma_start3A_51 = arith.constant 0 : i32
      %dma_start3A_52 = tpu.memref_slice %arg2[%mul3A_2, %dma_start3A_51] : memref<16384x128xf32, #tpu.memory_space<hbm>> -> memref<512x128xf32, #tpu.memory_space<hbm>>
      tpu.enqueue_dma source(%dma_start3A_52 : memref<512x128xf32, #tpu.memory_space<hbm>>) target(%arg4 : memref<512x128xf32, #tpu.memory_space<vmem>>) target_semaphore(%run_scoped3A : memref<!tpu.dma_semaphore, #tpu.memory_space<semaphore_mem>>)
      %dma_wait3A = arith.constant 0 : i32
      %dma_wait3A_53 = tpu.memref_slice %arg2[%mul3A_2, %dma_wait3A] : memref<16384x128xf32, #tpu.memory_space<hbm>> -> memref<512x128xf32, #tpu.memory_space<hbm>>
      %dma_wait3A_54 = arith.constant 0 : i32
      %dma_wait3A_55 = tpu.memref_slice %arg2[%mul3A_2, %dma_wait3A_54] : memref<16384x128xf32, #tpu.memory_space<hbm>> -> memref<512x128xf32, #tpu.memory_space<hbm>>
      tpu.wait_dma2 semaphore(%run_scoped3A : memref<!tpu.dma_semaphore, #tpu.memory_space<semaphore_mem>>) src(%dma_wait3A_55 : memref<512x128xf32, #tpu.memory_space<hbm>>) dst(%arg4 : memref<512x128xf32, #tpu.memory_space<vmem>>)
      tpu.yield
    }) : () -> ()
    %iota3A = tpu.iota {dimensions = array<i32: 0>} : vector<16xi32>
    %add3A_3 = arith.constant 8 : i32
    %add3A_4 = vector.broadcast %add3A_3 : i32 to vector<16xi32>
    %add3A_5 = arith.addi %iota3A, %add3A_4 : vector<16xi32>
    %and3A = arith.constant 15 : i32
    %and3A_6 = vector.broadcast %and3A : i32 to vector<16xi32>
    %and3A_7 = arith.andi %add3A_5, %and3A_6 : vector<16xi32>
    %and3A_8 = arith.constant 8 : i32
    %and3A_9 = vector.broadcast %and3A_8 : i32 to vector<16xi32>
    %and3A_10 = arith.andi %iota3A, %and3A_9 : vector<16xi32>
    %add3A_11 = arith.constant 4 : i32
    %add3A_12 = vector.broadcast %add3A_11 : i32 to vector<16xi32>
    %add3A_13 = arith.addi %iota3A, %add3A_12 : vector<16xi32>
    %and3A_14 = arith.constant 7 : i32
    %and3A_15 = vector.broadcast %and3A_14 : i32 to vector<16xi32>
    %and3A_16 = arith.andi %add3A_13, %and3A_15 : vector<16xi32>
    %or3A = arith.ori %and3A_10, %and3A_16 : vector<16xi32>
    %and3A_17 = arith.constant 12 : i32
    %and3A_18 = vector.broadcast %and3A_17 : i32 to vector<16xi32>
    %and3A_19 = arith.andi %iota3A, %and3A_18 : vector<16xi32>
    %add3A_20 = arith.constant 2 : i32
    %add3A_21 = vector.broadcast %add3A_20 : i32 to vector<16xi32>
    %add3A_22 = arith.addi %iota3A, %add3A_21 : vector<16xi32>
    %and3A_23 = arith.constant 3 : i32
    %and3A_24 = vector.broadcast %and3A_23 : i32 to vector<16xi32>
    %and3A_25 = arith.andi %add3A_22, %and3A_24 : vector<16xi32>
    %or3A_26 = arith.ori %and3A_19, %and3A_25 : vector<16xi32>
    %xor3A = arith.constant 1 : i32
    %xor3A_27 = vector.broadcast %xor3A : i32 to vector<16xi32>
    %xor3A_28 = arith.xori %iota3A, %xor3A_27 : vector<16xi32>
    %lt3A = arith.constant 8 : i32
    %lt3A_29 = vector.broadcast %lt3A : i32 to vector<16xi32>
    %lt3A_30 = arith.cmpi slt, %iota3A, %lt3A_29 : vector<16xi32>
    %and3A_31 = arith.constant 4 : i32
    %and3A_32 = vector.broadcast %and3A_31 : i32 to vector<16xi32>
    %and3A_33 = arith.andi %iota3A, %and3A_32 : vector<16xi32>
    %eq3A = arith.constant 0 : i32
    %eq3A_34 = vector.broadcast %eq3A : i32 to vector<16xi32>
    %eq3A_35 = arith.cmpi eq, %and3A_33, %eq3A_34 : vector<16xi32>
    %and3A_36 = arith.constant 2 : i32
    %and3A_37 = vector.broadcast %and3A_36 : i32 to vector<16xi32>
    %and3A_38 = arith.andi %iota3A, %and3A_37 : vector<16xi32>
    %eq3A_39 = arith.constant 0 : i32
    %eq3A_40 = vector.broadcast %eq3A_39 : i32 to vector<16xi32>
    %eq3A_41 = arith.cmpi eq, %and3A_38, %eq3A_40 : vector<16xi32>
    %and3A_42 = arith.constant 1 : i32
    %and3A_43 = vector.broadcast %and3A_42 : i32 to vector<16xi32>
    %and3A_44 = arith.andi %iota3A, %and3A_43 : vector<16xi32>
    %eq3A_45 = arith.constant 0 : i32
    %eq3A_46 = vector.broadcast %eq3A_45 : i32 to vector<16xi32>
    %eq3A_47 = arith.cmpi eq, %and3A_44, %eq3A_46 : vector<16xi32>
    %parallel_loop3A = arith.constant 0 : i32
    %parallel_loop3A_48 = arith.constant 32 : i32
    %parallel_loop3A_49 = arith.constant 1 : i32
    scf.for %parallel_loop3A_50 = %parallel_loop3A to %parallel_loop3A_48 step %parallel_loop3A_49  : i32 {
      %parallel_loop3A_51 = arith.constant 16 : i32
      %parallel_loop3A_52 = arith.muli %parallel_loop3A_50, %parallel_loop3A_51 : i32
      %parallel_loop3A_53 = arith.constant 0 : i32
      %parallel_loop3A_54 = arith.addi %parallel_loop3A_52, %parallel_loop3A_53 : i32
      %parallel_loop3A_55 = arith.index_cast %parallel_loop3A_54 : i32 to index
      %parallel_loop3A_56 = arith.constant 0 : index
      %parallel_loop3A_57 = tpu.vector_load %arg4[%parallel_loop3A_55, %parallel_loop3A_56] {strides = array<i32>} : memref<512x128xf32, #tpu.memory_space<vmem>>, vector<1x16xf32>,
      %parallel_loop3A_58 = vector.shape_cast %parallel_loop3A_57 : vector<1x16xf32> to vector<16xf32>
      %parallel_loop3A_59 = arith.mulf %parallel_loop3A_58, %parallel_loop3A_58 : vector<16xf32>
      %parallel_loop3A_60 = arith.constant 0 : i32
      %parallel_loop3A_61 = arith.addi %parallel_loop3A_52, %parallel_loop3A_60 : i32
      %parallel_loop3A_62 = arith.index_cast %parallel_loop3A_61 : i32 to index
      %parallel_loop3A_63 = arith.constant 16 : index
      %parallel_loop3A_64 = tpu.vector_load %arg4[%parallel_loop3A_62, %parallel_loop3A_63] {strides = array<i32>} : memref<512x128xf32, #tpu.memory_space<vmem>>, vector<1x16xf32>,
      %parallel_loop3A_65 = vector.shape_cast %parallel_loop3A_64 : vector<1x16xf32> to vector<16xf32>
      %parallel_loop3A_66 = arith.mulf %parallel_loop3A_65, %parallel_loop3A_65 : vector<16xf32>
      %parallel_loop3A_67 = arith.addf %parallel_loop3A_59, %parallel_loop3A_66 : vector<16xf32>
      %parallel_loop3A_68 = arith.constant 0 : i32
      %parallel_loop3A_69 = arith.addi %parallel_loop3A_52, %parallel_loop3A_68 : i32
      %parallel_loop3A_70 = arith.index_cast %parallel_loop3A_69 : i32 to index
      %parallel_loop3A_71 = arith.constant 32 : index
      %parallel_loop3A_72 = tpu.vector_load %arg4[%parallel_loop3A_70, %parallel_loop3A_71] {strides = array<i32>} : memref<512x128xf32, #tpu.memory_space<vmem>>, vector<1x16xf32>,
      %parallel_loop3A_73 = vector.shape_cast %parallel_loop3A_72 : vector<1x16xf32> to vector<16xf32>
      %parallel_loop3A_74 = arith.mulf %parallel_loop3A_73, %parallel_loop3A_73 : vector<16xf32>
      %parallel_loop3A_75 = arith.addf %parallel_loop3A_67, %parallel_loop3A_74 : vector<16xf32>
      %parallel_loop3A_76 = arith.constant 0 : i32
      %parallel_loop3A_77 = arith.addi %parallel_loop3A_52, %parallel_loop3A_76 : i32
      %parallel_loop3A_78 = arith.index_cast %parallel_loop3A_77 : i32 to index
      %parallel_loop3A_79 = arith.constant 48 : index
      %parallel_loop3A_80 = tpu.vector_load %arg4[%parallel_loop3A_78, %parallel_loop3A_79] {strides = array<i32>} : memref<512x128xf32, #tpu.memory_space<vmem>>, vector<1x16xf32>,
      %parallel_loop3A_81 = vector.shape_cast %parallel_loop3A_80 : vector<1x16xf32> to vector<16xf32>
      %parallel_loop3A_82 = arith.mulf %parallel_loop3A_81, %parallel_loop3A_81 : vector<16xf32>
      %parallel_loop3A_83 = arith.addf %parallel_loop3A_75, %parallel_loop3A_82 : vector<16xf32>
      %parallel_loop3A_84 = arith.constant 0 : i32
      %parallel_loop3A_85 = arith.addi %parallel_loop3A_52, %parallel_loop3A_84 : i32
      %parallel_loop3A_86 = arith.index_cast %parallel_loop3A_85 : i32 to index
      %parallel_loop3A_87 = arith.constant 64 : index
      %parallel_loop3A_88 = tpu.vector_load %arg4[%parallel_loop3A_86, %parallel_loop3A_87] {strides = array<i32>} : memref<512x128xf32, #tpu.memory_space<vmem>>, vector<1x16xf32>,
      %parallel_loop3A_89 = vector.shape_cast %parallel_loop3A_88 : vector<1x16xf32> to vector<16xf32>
      %parallel_loop3A_90 = arith.mulf %parallel_loop3A_89, %parallel_loop3A_89 : vector<16xf32>
      %parallel_loop3A_91 = arith.addf %parallel_loop3A_83, %parallel_loop3A_90 : vector<16xf32>
      %parallel_loop3A_92 = arith.constant 0 : i32
      %parallel_loop3A_93 = arith.addi %parallel_loop3A_52, %parallel_loop3A_92 : i32
      %parallel_loop3A_94 = arith.index_cast %parallel_loop3A_93 : i32 to index
      %parallel_loop3A_95 = arith.constant 80 : index
      %parallel_loop3A_96 = tpu.vector_load %arg4[%parallel_loop3A_94, %parallel_loop3A_95] {strides = array<i32>} : memref<512x128xf32, #tpu.memory_space<vmem>>, vector<1x16xf32>,
      %parallel_loop3A_97 = vector.shape_cast %parallel_loop3A_96 : vector<1x16xf32> to vector<16xf32>
      %parallel_loop3A_98 = arith.mulf %parallel_loop3A_97, %parallel_loop3A_97 : vector<16xf32>
      %parallel_loop3A_99 = arith.addf %parallel_loop3A_91, %parallel_loop3A_98 : vector<16xf32>
      %parallel_loop3A_100 = arith.constant 0 : i32
      %parallel_loop3A_101 = arith.addi %parallel_loop3A_52, %parallel_loop3A_100 : i32
      %parallel_loop3A_102 = arith.index_cast %parallel_loop3A_101 : i32 to index
      %parallel_loop3A_103 = arith.constant 96 : index
      %parallel_loop3A_104 = tpu.vector_load %arg4[%parallel_loop3A_102, %parallel_loop3A_103] {strides = array<i32>} : memref<512x128xf32, #tpu.memory_space<vmem>>, vector<1x16xf32>,
      %parallel_loop3A_105 = vector.shape_cast %parallel_loop3A_104 : vector<1x16xf32> to vector<16xf32>
      %parallel_loop3A_106 = arith.mulf %parallel_loop3A_105, %parallel_loop3A_105 : vector<16xf32>
      %parallel_loop3A_107 = arith.addf %parallel_loop3A_99, %parallel_loop3A_106 : vector<16xf32>
      %parallel_loop3A_108 = arith.constant 0 : i32
      %parallel_loop3A_109 = arith.addi %parallel_loop3A_52, %parallel_loop3A_108 : i32
      %parallel_loop3A_110 = arith.index_cast %parallel_loop3A_109 : i32 to index
      %parallel_loop3A_111 = arith.constant 112 : index
      %parallel_loop3A_112 = tpu.vector_load %arg4[%parallel_loop3A_110, %parallel_loop3A_111] {strides = array<i32>} : memref<512x128xf32, #tpu.memory_space<vmem>>, vector<1x16xf32>,
      %parallel_loop3A_113 = vector.shape_cast %parallel_loop3A_112 : vector<1x16xf32> to vector<16xf32>
      %parallel_loop3A_114 = arith.mulf %parallel_loop3A_113, %parallel_loop3A_113 : vector<16xf32>
      %parallel_loop3A_115 = arith.addf %parallel_loop3A_107, %parallel_loop3A_114 : vector<16xf32>
      %parallel_loop3A_116 = arith.constant 1 : i32
      %parallel_loop3A_117 = arith.addi %parallel_loop3A_52, %parallel_loop3A_116 : i32
      %parallel_loop3A_118 = arith.index_cast %parallel_loop3A_117 : i32 to index
      %parallel_loop3A_119 = arith.constant 0 : index
      %parallel_loop3A_120 = tpu.vector_load %arg4[%parallel_loop3A_118, %parallel_loop3A_119] {strides = array<i32>} : memref<512x128xf32, #tpu.memory_space<vmem>>, vector<1x16xf32>,
      %parallel_loop3A_121 = vector.shape_cast %parallel_loop3A_120 : vector<1x16xf32> to vector<16xf32>
      %parallel_loop3A_122 = arith.mulf %parallel_loop3A_121, %parallel_loop3A_121 : vector<16xf32>
      %parallel_loop3A_123 = arith.constant 1 : i32
      %parallel_loop3A_124 = arith.addi %parallel_loop3A_52, %parallel_loop3A_123 : i32
      %parallel_loop3A_125 = arith.index_cast %parallel_loop3A_124 : i32 to index
      %parallel_loop3A_126 = arith.constant 16 : index
      %parallel_loop3A_127 = tpu.vector_load %arg4[%parallel_loop3A_125, %parallel_loop3A_126] {strides = array<i32>} : memref<512x128xf32, #tpu.memory_space<vmem>>, vector<1x16xf32>,
      %parallel_loop3A_128 = vector.shape_cast %parallel_loop3A_127 : vector<1x16xf32> to vector<16xf32>
      %parallel_loop3A_129 = arith.mulf %parallel_loop3A_128, %parallel_loop3A_128 : vector<16xf32>
      %parallel_loop3A_130 = arith.addf %parallel_loop3A_122, %parallel_loop3A_129 : vector<16xf32>
      %parallel_loop3A_131 = arith.constant 1 : i32
      %parallel_loop3A_132 = arith.addi %parallel_loop3A_52, %parallel_loop3A_131 : i32
      %parallel_loop3A_133 = arith.index_cast %parallel_loop3A_132 : i32 to index
      %parallel_loop3A_134 = arith.constant 32 : index
      %parallel_loop3A_135 = tpu.vector_load %arg4[%parallel_loop3A_133, %parallel_loop3A_134] {strides = array<i32>} : memref<512x128xf32, #tpu.memory_space<vmem>>, vector<1x16xf32>,
      %parallel_loop3A_136 = vector.shape_cast %parallel_loop3A_135 : vector<1x16xf32> to vector<16xf32>
      %parallel_loop3A_137 = arith.mulf %parallel_loop3A_136, %parallel_loop3A_136 : vector<16xf32>
      %parallel_loop3A_138 = arith.addf %parallel_loop3A_130, %parallel_loop3A_137 : vector<16xf32>
      %parallel_loop3A_139 = arith.constant 1 : i32
      %parallel_loop3A_140 = arith.addi %parallel_loop3A_52, %parallel_loop3A_139 : i32
      %parallel_loop3A_141 = arith.index_cast %parallel_loop3A_140 : i32 to index
      %parallel_loop3A_142 = arith.constant 48 : index
      %parallel_loop3A_143 = tpu.vector_load %arg4[%parallel_loop3A_141, %parallel_loop3A_142] {strides = array<i32>} : memref<512x128xf32, #tpu.memory_space<vmem>>, vector<1x16xf32>,
      %parallel_loop3A_144 = vector.shape_cast %parallel_loop3A_143 : vector<1x16xf32> to vector<16xf32>
      %parallel_loop3A_145 = arith.mulf %parallel_loop3A_144, %parallel_loop3A_144 : vector<16xf32>
      %parallel_loop3A_146 = arith.addf %parallel_loop3A_138, %parallel_loop3A_145 : vector<16xf32>
      %parallel_loop3A_147 = arith.constant 1 : i32
      %parallel_loop3A_148 = arith.addi %parallel_loop3A_52, %parallel_loop3A_147 : i32
      %parallel_loop3A_149 = arith.index_cast %parallel_loop3A_148 : i32 to index
      %parallel_loop3A_150 = arith.constant 64 : index
      %parallel_loop3A_151 = tpu.vector_load %arg4[%parallel_loop3A_149, %parallel_loop3A_150] {strides = array<i32>} : memref<512x128xf32, #tpu.memory_space<vmem>>, vector<1x16xf32>,
      %parallel_loop3A_152 = vector.shape_cast %parallel_loop3A_151 : vector<1x16xf32> to vector<16xf32>
      %parallel_loop3A_153 = arith.mulf %parallel_loop3A_152, %parallel_loop3A_152 : vector<16xf32>
      %parallel_loop3A_154 = arith.addf %parallel_loop3A_146, %parallel_loop3A_153 : vector<16xf32>
      %parallel_loop3A_155 = arith.constant 1 : i32
      %parallel_loop3A_156 = arith.addi %parallel_loop3A_52, %parallel_loop3A_155 : i32
      %parallel_loop3A_157 = arith.index_cast %parallel_loop3A_156 : i32 to index
      %parallel_loop3A_158 = arith.constant 80 : index
      %parallel_loop3A_159 = tpu.vector_load %arg4[%parallel_loop3A_157, %parallel_loop3A_158] {strides = array<i32>} : memref<512x128xf32, #tpu.memory_space<vmem>>, vector<1x16xf32>,
      %parallel_loop3A_160 = vector.shape_cast %parallel_loop3A_159 : vector<1x16xf32> to vector<16xf32>
      %parallel_loop3A_161 = arith.mulf %parallel_loop3A_160, %parallel_loop3A_160 : vector<16xf32>
      %parallel_loop3A_162 = arith.addf %parallel_loop3A_154, %parallel_loop3A_161 : vector<16xf32>
      %parallel_loop3A_163 = arith.constant 1 : i32
      %parallel_loop3A_164 = arith.addi %parallel_loop3A_52, %parallel_loop3A_163 : i32
      %parallel_loop3A_165 = arith.index_cast %parallel_loop3A_164 : i32 to index
      %parallel_loop3A_166 = arith.constant 96 : index
      %parallel_loop3A_167 = tpu.vector_load %arg4[%parallel_loop3A_165, %parallel_loop3A_166] {strides = array<i32>} : memref<512x128xf32, #tpu.memory_space<vmem>>, vector<1x16xf32>,
      %parallel_loop3A_168 = vector.shape_cast %parallel_loop3A_167 : vector<1x16xf32> to vector<16xf32>
      %parallel_loop3A_169 = arith.mulf %parallel_loop3A_168, %parallel_loop3A_168 : vector<16xf32>
      %parallel_loop3A_170 = arith.addf %parallel_loop3A_162, %parallel_loop3A_169 : vector<16xf32>
      %parallel_loop3A_171 = arith.constant 1 : i32
      %parallel_loop3A_172 = arith.addi %parallel_loop3A_52, %parallel_loop3A_171 : i32
      %parallel_loop3A_173 = arith.index_cast %parallel_loop3A_172 : i32 to index
      %parallel_loop3A_174 = arith.constant 112 : index
      %parallel_loop3A_175 = tpu.vector_load %arg4[%parallel_loop3A_173, %parallel_loop3A_174] {strides = array<i32>} : memref<512x128xf32, #tpu.memory_space<vmem>>, vector<1x16xf32>,
      %parallel_loop3A_176 = vector.shape_cast %parallel_loop3A_175 : vector<1x16xf32> to vector<16xf32>
      %parallel_loop3A_177 = arith.mulf %parallel_loop3A_176, %parallel_loop3A_176 : vector<16xf32>
      %parallel_loop3A_178 = arith.addf %parallel_loop3A_170, %parallel_loop3A_177 : vector<16xf32>
      %parallel_loop3A_179 = arith.constant 2 : i32
      %parallel_loop3A_180 = arith.addi %parallel_loop3A_52, %parallel_loop3A_179 : i32
      %parallel_loop3A_181 = arith.index_cast %parallel_loop3A_180 : i32 to index
      %parallel_loop3A_182 = arith.constant 0 : index
      %parallel_loop3A_183 = tpu.vector_load %arg4[%parallel_loop3A_181, %parallel_loop3A_182] {strides = array<i32>} : memref<512x128xf32, #tpu.memory_space<vmem>>, vector<1x16xf32>,
      %parallel_loop3A_184 = vector.shape_cast %parallel_loop3A_183 : vector<1x16xf32> to vector<16xf32>
      %parallel_loop3A_185 = arith.mulf %parallel_loop3A_184, %parallel_loop3A_184 : vector<16xf32>
      %parallel_loop3A_186 = arith.constant 2 : i32
      %parallel_loop3A_187 = arith.addi %parallel_loop3A_52, %parallel_loop3A_186 : i32
      %parallel_loop3A_188 = arith.index_cast %parallel_loop3A_187 : i32 to index
      %parallel_loop3A_189 = arith.constant 16 : index
      %parallel_loop3A_190 = tpu.vector_load %arg4[%parallel_loop3A_188, %parallel_loop3A_189] {strides = array<i32>} : memref<512x128xf32, #tpu.memory_space<vmem>>, vector<1x16xf32>,
      %parallel_loop3A_191 = vector.shape_cast %parallel_loop3A_190 : vector<1x16xf32> to vector<16xf32>
      %parallel_loop3A_192 = arith.mulf %parallel_loop3A_191, %parallel_loop3A_191 : vector<16xf32>
      %parallel_loop3A_193 = arith.addf %parallel_loop3A_185, %parallel_loop3A_192 : vector<16xf32>
      %parallel_loop3A_194 = arith.constant 2 : i32
      %parallel_loop3A_195 = arith.addi %parallel_loop3A_52, %parallel_loop3A_194 : i32
      %parallel_loop3A_196 = arith.index_cast %parallel_loop3A_195 : i32 to index
      %parallel_loop3A_197 = arith.constant 32 : index
      %parallel_loop3A_198 = tpu.vector_load %arg4[%parallel_loop3A_196, %parallel_loop3A_197] {strides = array<i32>} : memref<512x128xf32, #tpu.memory_space<vmem>>, vector<1x16xf32>,
      %parallel_loop3A_199 = vector.shape_cast %parallel_loop3A_198 : vector<1x16xf32> to vector<16xf32>
      %parallel_loop3A_200 = arith.mulf %parallel_loop3A_199, %parallel_loop3A_199 : vector<16xf32>
      %parallel_loop3A_201 = arith.addf %parallel_loop3A_193, %parallel_loop3A_200 : vector<16xf32>
      %parallel_loop3A_202 = arith.constant 2 : i32
      %parallel_loop3A_203 = arith.addi %parallel_loop3A_52, %parallel_loop3A_202 : i32
      %parallel_loop3A_204 = arith.index_cast %parallel_loop3A_203 : i32 to index
      %parallel_loop3A_205 = arith.constant 48 : index
      %parallel_loop3A_206 = tpu.vector_load %arg4[%parallel_loop3A_204, %parallel_loop3A_205] {strides = array<i32>} : memref<512x128xf32, #tpu.memory_space<vmem>>, vector<1x16xf32>,
      %parallel_loop3A_207 = vector.shape_cast %parallel_loop3A_206 : vector<1x16xf32> to vector<16xf32>
      %parallel_loop3A_208 = arith.mulf %parallel_loop3A_207, %parallel_loop3A_207 : vector<16xf32>
      %parallel_loop3A_209 = arith.addf %parallel_loop3A_201, %parallel_loop3A_208 : vector<16xf32>
      %parallel_loop3A_210 = arith.constant 2 : i32
      %parallel_loop3A_211 = arith.addi %parallel_loop3A_52, %parallel_loop3A_210 : i32
      %parallel_loop3A_212 = arith.index_cast %parallel_loop3A_211 : i32 to index
      %parallel_loop3A_213 = arith.constant 64 : index
      %parallel_loop3A_214 = tpu.vector_load %arg4[%parallel_loop3A_212, %parallel_loop3A_213] {strides = array<i32>} : memref<512x128xf32, #tpu.memory_space<vmem>>, vector<1x16xf32>,
      %parallel_loop3A_215 = vector.shape_cast %parallel_loop3A_214 : vector<1x16xf32> to vector<16xf32>
      %parallel_loop3A_216 = arith.mulf %parallel_loop3A_215, %parallel_loop3A_215 : vector<16xf32>
      %parallel_loop3A_217 = arith.addf %parallel_loop3A_209, %parallel_loop3A_216 : vector<16xf32>
      %parallel_loop3A_218 = arith.constant 2 : i32
      %parallel_loop3A_219 = arith.addi %parallel_loop3A_52, %parallel_loop3A_218 : i32
      %parallel_loop3A_220 = arith.index_cast %parallel_loop3A_219 : i32 to index
      %parallel_loop3A_221 = arith.constant 80 : index
      %parallel_loop3A_222 = tpu.vector_load %arg4[%parallel_loop3A_220, %parallel_loop3A_221] {strides = array<i32>} : memref<512x128xf32, #tpu.memory_space<vmem>>, vector<1x16xf32>,
      %parallel_loop3A_223 = vector.shape_cast %parallel_loop3A_222 : vector<1x16xf32> to vector<16xf32>
      %parallel_loop3A_224 = arith.mulf %parallel_loop3A_223, %parallel_loop3A_223 : vector<16xf32>
      %parallel_loop3A_225 = arith.addf %parallel_loop3A_217, %parallel_loop3A_224 : vector<16xf32>
      %parallel_loop3A_226 = arith.constant 2 : i32
      %parallel_loop3A_227 = arith.addi %parallel_loop3A_52, %parallel_loop3A_226 : i32
      %parallel_loop3A_228 = arith.index_cast %parallel_loop3A_227 : i32 to index
      %parallel_loop3A_229 = arith.constant 96 : index
      %parallel_loop3A_230 = tpu.vector_load %arg4[%parallel_loop3A_228, %parallel_loop3A_229] {strides = array<i32>} : memref<512x128xf32, #tpu.memory_space<vmem>>, vector<1x16xf32>,
      %parallel_loop3A_231 = vector.shape_cast %parallel_loop3A_230 : vector<1x16xf32> to vector<16xf32>
      %parallel_loop3A_232 = arith.mulf %parallel_loop3A_231, %parallel_loop3A_231 : vector<16xf32>
      %parallel_loop3A_233 = arith.addf %parallel_loop3A_225, %parallel_loop3A_232 : vector<16xf32>
      %parallel_loop3A_234 = arith.constant 2 : i32
      %parallel_loop3A_235 = arith.addi %parallel_loop3A_52, %parallel_loop3A_234 : i32
      %parallel_loop3A_236 = arith.index_cast %parallel_loop3A_235 : i32 to index
      %parallel_loop3A_237 = arith.constant 112 : index
      %parallel_loop3A_238 = tpu.vector_load %arg4[%parallel_loop3A_236, %parallel_loop3A_237] {strides = array<i32>} : memref<512x128xf32, #tpu.memory_space<vmem>>, vector<1x16xf32>,
      %parallel_loop3A_239 = vector.shape_cast %parallel_loop3A_238 : vector<1x16xf32> to vector<16xf32>
      %parallel_loop3A_240 = arith.mulf %parallel_loop3A_239, %parallel_loop3A_239 : vector<16xf32>
      %parallel_loop3A_241 = arith.addf %parallel_loop3A_233, %parallel_loop3A_240 : vector<16xf32>
      %parallel_loop3A_242 = arith.constant 3 : i32
      %parallel_loop3A_243 = arith.addi %parallel_loop3A_52, %parallel_loop3A_242 : i32
      %parallel_loop3A_244 = arith.index_cast %parallel_loop3A_243 : i32 to index
      %parallel_loop3A_245 = arith.constant 0 : index
      %parallel_loop3A_246 = tpu.vector_load %arg4[%parallel_loop3A_244, %parallel_loop3A_245] {strides = array<i32>} : memref<512x128xf32, #tpu.memory_space<vmem>>, vector<1x16xf32>,
      %parallel_loop3A_247 = vector.shape_cast %parallel_loop3A_246 : vector<1x16xf32> to vector<16xf32>
      %parallel_loop3A_248 = arith.mulf %parallel_loop3A_247, %parallel_loop3A_247 : vector<16xf32>
      %parallel_loop3A_249 = arith.constant 3 : i32
      %parallel_loop3A_250 = arith.addi %parallel_loop3A_52, %parallel_loop3A_249 : i32
      %parallel_loop3A_251 = arith.index_cast %parallel_loop3A_250 : i32 to index
      %parallel_loop3A_252 = arith.constant 16 : index
      %parallel_loop3A_253 = tpu.vector_load %arg4[%parallel_loop3A_251, %parallel_loop3A_252] {strides = array<i32>} : memref<512x128xf32, #tpu.memory_space<vmem>>, vector<1x16xf32>,
      %parallel_loop3A_254 = vector.shape_cast %parallel_loop3A_253 : vector<1x16xf32> to vector<16xf32>
      %parallel_loop3A_255 = arith.mulf %parallel_loop3A_254, %parallel_loop3A_254 : vector<16xf32>
      %parallel_loop3A_256 = arith.addf %parallel_loop3A_248, %parallel_loop3A_255 : vector<16xf32>
      %parallel_loop3A_257 = arith.constant 3 : i32
      %parallel_loop3A_258 = arith.addi %parallel_loop3A_52, %parallel_loop3A_257 : i32
      %parallel_loop3A_259 = arith.index_cast %parallel_loop3A_258 : i32 to index
      %parallel_loop3A_260 = arith.constant 32 : index
      %parallel_loop3A_261 = tpu.vector_load %arg4[%parallel_loop3A_259, %parallel_loop3A_260] {strides = array<i32>} : memref<512x128xf32, #tpu.memory_space<vmem>>, vector<1x16xf32>,
      %parallel_loop3A_262 = vector.shape_cast %parallel_loop3A_261 : vector<1x16xf32> to vector<16xf32>
      %parallel_loop3A_263 = arith.mulf %parallel_loop3A_262, %parallel_loop3A_262 : vector<16xf32>
      %parallel_loop3A_264 = arith.addf %parallel_loop3A_256, %parallel_loop3A_263 : vector<16xf32>
      %parallel_loop3A_265 = arith.constant 3 : i32
      %parallel_loop3A_266 = arith.addi %parallel_loop3A_52, %parallel_loop3A_265 : i32
      %parallel_loop3A_267 = arith.index_cast %parallel_loop3A_266 : i32 to index
      %parallel_loop3A_268 = arith.constant 48 : index
      %parallel_loop3A_269 = tpu.vector_load %arg4[%parallel_loop3A_267, %parallel_loop3A_268] {strides = array<i32>} : memref<512x128xf32, #tpu.memory_space<vmem>>, vector<1x16xf32>,
      %parallel_loop3A_270 = vector.shape_cast %parallel_loop3A_269 : vector<1x16xf32> to vector<16xf32>
      %parallel_loop3A_271 = arith.mulf %parallel_loop3A_270, %parallel_loop3A_270 : vector<16xf32>
      %parallel_loop3A_272 = arith.addf %parallel_loop3A_264, %parallel_loop3A_271 : vector<16xf32>
      %parallel_loop3A_273 = arith.constant 3 : i32
      %parallel_loop3A_274 = arith.addi %parallel_loop3A_52, %parallel_loop3A_273 : i32
      %parallel_loop3A_275 = arith.index_cast %parallel_loop3A_274 : i32 to index
      %parallel_loop3A_276 = arith.constant 64 : index
      %parallel_loop3A_277 = tpu.vector_load %arg4[%parallel_loop3A_275, %parallel_loop3A_276] {strides = array<i32>} : memref<512x128xf32, #tpu.memory_space<vmem>>, vector<1x16xf32>,
      %parallel_loop3A_278 = vector.shape_cast %parallel_loop3A_277 : vector<1x16xf32> to vector<16xf32>
      %parallel_loop3A_279 = arith.mulf %parallel_loop3A_278, %parallel_loop3A_278 : vector<16xf32>
      %parallel_loop3A_280 = arith.addf %parallel_loop3A_272, %parallel_loop3A_279 : vector<16xf32>
      %parallel_loop3A_281 = arith.constant 3 : i32
      %parallel_loop3A_282 = arith.addi %parallel_loop3A_52, %parallel_loop3A_281 : i32
      %parallel_loop3A_283 = arith.index_cast %parallel_loop3A_282 : i32 to index
      %parallel_loop3A_284 = arith.constant 80 : index
      %parallel_loop3A_285 = tpu.vector_load %arg4[%parallel_loop3A_283, %parallel_loop3A_284] {strides = array<i32>} : memref<512x128xf32, #tpu.memory_space<vmem>>, vector<1x16xf32>,
      %parallel_loop3A_286 = vector.shape_cast %parallel_loop3A_285 : vector<1x16xf32> to vector<16xf32>
      %parallel_loop3A_287 = arith.mulf %parallel_loop3A_286, %parallel_loop3A_286 : vector<16xf32>
      %parallel_loop3A_288 = arith.addf %parallel_loop3A_280, %parallel_loop3A_287 : vector<16xf32>
      %parallel_loop3A_289 = arith.constant 3 : i32
      %parallel_loop3A_290 = arith.addi %parallel_loop3A_52, %parallel_loop3A_289 : i32
      %parallel_loop3A_291 = arith.index_cast %parallel_loop3A_290 : i32 to index
      %parallel_loop3A_292 = arith.constant 96 : index
      %parallel_loop3A_293 = tpu.vector_load %arg4[%parallel_loop3A_291, %parallel_loop3A_292] {strides = array<i32>} : memref<512x128xf32, #tpu.memory_space<vmem>>, vector<1x16xf32>,
      %parallel_loop3A_294 = vector.shape_cast %parallel_loop3A_293 : vector<1x16xf32> to vector<16xf32>
      %parallel_loop3A_295 = arith.mulf %parallel_loop3A_294, %parallel_loop3A_294 : vector<16xf32>
      %parallel_loop3A_296 = arith.addf %parallel_loop3A_288, %parallel_loop3A_295 : vector<16xf32>
      %parallel_loop3A_297 = arith.constant 3 : i32
      %parallel_loop3A_298 = arith.addi %parallel_loop3A_52, %parallel_loop3A_297 : i32
      %parallel_loop3A_299 = arith.index_cast %parallel_loop3A_298 : i32 to index
      %parallel_loop3A_300 = arith.constant 112 : index
      %parallel_loop3A_301 = tpu.vector_load %arg4[%parallel_loop3A_299, %parallel_loop3A_300] {strides = array<i32>} : memref<512x128xf32, #tpu.memory_space<vmem>>, vector<1x16xf32>,
      %parallel_loop3A_302 = vector.shape_cast %parallel_loop3A_301 : vector<1x16xf32> to vector<16xf32>
      %parallel_loop3A_303 = arith.mulf %parallel_loop3A_302, %parallel_loop3A_302 : vector<16xf32>
      %parallel_loop3A_304 = arith.addf %parallel_loop3A_296, %parallel_loop3A_303 : vector<16xf32>
      %parallel_loop3A_305 = arith.constant 4 : i32
      %parallel_loop3A_306 = arith.addi %parallel_loop3A_52, %parallel_loop3A_305 : i32
      %parallel_loop3A_307 = arith.index_cast %parallel_loop3A_306 : i32 to index
      %parallel_loop3A_308 = arith.constant 0 : index
      %parallel_loop3A_309 = tpu.vector_load %arg4[%parallel_loop3A_307, %parallel_loop3A_308] {strides = array<i32>} : memref<512x128xf32, #tpu.memory_space<vmem>>, vector<1x16xf32>,
      %parallel_loop3A_310 = vector.shape_cast %parallel_loop3A_309 : vector<1x16xf32> to vector<16xf32>
      %parallel_loop3A_311 = arith.mulf %parallel_loop3A_310, %parallel_loop3A_310 : vector<16xf32>
      %parallel_loop3A_312 = arith.constant 4 : i32
      %parallel_loop3A_313 = arith.addi %parallel_loop3A_52, %parallel_loop3A_312 : i32
      %parallel_loop3A_314 = arith.index_cast %parallel_loop3A_313 : i32 to index
      %parallel_loop3A_315 = arith.constant 16 : index
      %parallel_loop3A_316 = tpu.vector_load %arg4[%parallel_loop3A_314, %parallel_loop3A_315] {strides = array<i32>} : memref<512x128xf32, #tpu.memory_space<vmem>>, vector<1x16xf32>,
      %parallel_loop3A_317 = vector.shape_cast %parallel_loop3A_316 : vector<1x16xf32> to vector<16xf32>
      %parallel_loop3A_318 = arith.mulf %parallel_loop3A_317, %parallel_loop3A_317 : vector<16xf32>
      %parallel_loop3A_319 = arith.addf %parallel_loop3A_311, %parallel_loop3A_318 : vector<16xf32>
      %parallel_loop3A_320 = arith.constant 4 : i32
      %parallel_loop3A_321 = arith.addi %parallel_loop3A_52, %parallel_loop3A_320 : i32
      %parallel_loop3A_322 = arith.index_cast %parallel_loop3A_321 : i32 to index
      %parallel_loop3A_323 = arith.constant 32 : index
      %parallel_loop3A_324 = tpu.vector_load %arg4[%parallel_loop3A_322, %parallel_loop3A_323] {strides = array<i32>} : memref<512x128xf32, #tpu.memory_space<vmem>>, vector<1x16xf32>,
      %parallel_loop3A_325 = vector.shape_cast %parallel_loop3A_324 : vector<1x16xf32> to vector<16xf32>
      %parallel_loop3A_326 = arith.mulf %parallel_loop3A_325, %parallel_loop3A_325 : vector<16xf32>
      %parallel_loop3A_327 = arith.addf %parallel_loop3A_319, %parallel_loop3A_326 : vector<16xf32>
      %parallel_loop3A_328 = arith.constant 4 : i32
      %parallel_loop3A_329 = arith.addi %parallel_loop3A_52, %parallel_loop3A_328 : i32
      %parallel_loop3A_330 = arith.index_cast %parallel_loop3A_329 : i32 to index
      %parallel_loop3A_331 = arith.constant 48 : index
      %parallel_loop3A_332 = tpu.vector_load %arg4[%parallel_loop3A_330, %parallel_loop3A_331] {strides = array<i32>} : memref<512x128xf32, #tpu.memory_space<vmem>>, vector<1x16xf32>,
      %parallel_loop3A_333 = vector.shape_cast %parallel_loop3A_332 : vector<1x16xf32> to vector<16xf32>
      %parallel_loop3A_334 = arith.mulf %parallel_loop3A_333, %parallel_loop3A_333 : vector<16xf32>
      %parallel_loop3A_335 = arith.addf %parallel_loop3A_327, %parallel_loop3A_334 : vector<16xf32>
      %parallel_loop3A_336 = arith.constant 4 : i32
      %parallel_loop3A_337 = arith.addi %parallel_loop3A_52, %parallel_loop3A_336 : i32
      %parallel_loop3A_338 = arith.index_cast %parallel_loop3A_337 : i32 to index
      %parallel_loop3A_339 = arith.constant 64 : index
      %parallel_loop3A_340 = tpu.vector_load %arg4[%parallel_loop3A_338, %parallel_loop3A_339] {strides = array<i32>} : memref<512x128xf32, #tpu.memory_space<vmem>>, vector<1x16xf32>,
      %parallel_loop3A_341 = vector.shape_cast %parallel_loop3A_340 : vector<1x16xf32> to vector<16xf32>
      %parallel_loop3A_342 = arith.mulf %parallel_loop3A_341, %parallel_loop3A_341 : vector<16xf32>
      %parallel_loop3A_343 = arith.addf %parallel_loop3A_335, %parallel_loop3A_342 : vector<16xf32>
      %parallel_loop3A_344 = arith.constant 4 : i32
      %parallel_loop3A_345 = arith.addi %parallel_loop3A_52, %parallel_loop3A_344 : i32
      %parallel_loop3A_346 = arith.index_cast %parallel_loop3A_345 : i32 to index
      %parallel_loop3A_347 = arith.constant 80 : index
      %parallel_loop3A_348 = tpu.vector_load %arg4[%parallel_loop3A_346, %parallel_loop3A_347] {strides = array<i32>} : memref<512x128xf32, #tpu.memory_space<vmem>>, vector<1x16xf32>,
      %parallel_loop3A_349 = vector.shape_cast %parallel_loop3A_348 : vector<1x16xf32> to vector<16xf32>
      %parallel_loop3A_350 = arith.mulf %parallel_loop3A_349, %parallel_loop3A_349 : vector<16xf32>
      %parallel_loop3A_351 = arith.addf %parallel_loop3A_343, %parallel_loop3A_350 : vector<16xf32>
      %parallel_loop3A_352 = arith.constant 4 : i32
      %parallel_loop3A_353 = arith.addi %parallel_loop3A_52, %parallel_loop3A_352 : i32
      %parallel_loop3A_354 = arith.index_cast %parallel_loop3A_353 : i32 to index
      %parallel_loop3A_355 = arith.constant 96 : index
      %parallel_loop3A_356 = tpu.vector_load %arg4[%parallel_loop3A_354, %parallel_loop3A_355] {strides = array<i32>} : memref<512x128xf32, #tpu.memory_space<vmem>>, vector<1x16xf32>,
      %parallel_loop3A_357 = vector.shape_cast %parallel_loop3A_356 : vector<1x16xf32> to vector<16xf32>
      %parallel_loop3A_358 = arith.mulf %parallel_loop3A_357, %parallel_loop3A_357 : vector<16xf32>
      %parallel_loop3A_359 = arith.addf %parallel_loop3A_351, %parallel_loop3A_358 : vector<16xf32>
      %parallel_loop3A_360 = arith.constant 4 : i32
      %parallel_loop3A_361 = arith.addi %parallel_loop3A_52, %parallel_loop3A_360 : i32
      %parallel_loop3A_362 = arith.index_cast %parallel_loop3A_361 : i32 to index
      %parallel_loop3A_363 = arith.constant 112 : index
      %parallel_loop3A_364 = tpu.vector_load %arg4[%parallel_loop3A_362, %parallel_loop3A_363] {strides = array<i32>} : memref<512x128xf32, #tpu.memory_space<vmem>>, vector<1x16xf32>,
      %parallel_loop3A_365 = vector.shape_cast %parallel_loop3A_364 : vector<1x16xf32> to vector<16xf32>
      %parallel_loop3A_366 = arith.mulf %parallel_loop3A_365, %parallel_loop3A_365 : vector<16xf32>
      %parallel_loop3A_367 = arith.addf %parallel_loop3A_359, %parallel_loop3A_366 : vector<16xf32>
      %parallel_loop3A_368 = arith.constant 5 : i32
      %parallel_loop3A_369 = arith.addi %parallel_loop3A_52, %parallel_loop3A_368 : i32
      %parallel_loop3A_370 = arith.index_cast %parallel_loop3A_369 : i32 to index
      %parallel_loop3A_371 = arith.constant 0 : index
      %parallel_loop3A_372 = tpu.vector_load %arg4[%parallel_loop3A_370, %parallel_loop3A_371] {strides = array<i32>} : memref<512x128xf32, #tpu.memory_space<vmem>>, vector<1x16xf32>,
      %parallel_loop3A_373 = vector.shape_cast %parallel_loop3A_372 : vector<1x16xf32> to vector<16xf32>
      %parallel_loop3A_374 = arith.mulf %parallel_loop3A_373, %parallel_loop3A_373 : vector<16xf32>
      %parallel_loop3A_375 = arith.constant 5 : i32
      %parallel_loop3A_376 = arith.addi %parallel_loop3A_52, %parallel_loop3A_375 : i32
      %parallel_loop3A_377 = arith.index_cast %parallel_loop3A_376 : i32 to index
      %parallel_loop3A_378 = arith.constant 16 : index
      %parallel_loop3A_379 = tpu.vector_load %arg4[%parallel_loop3A_377, %parallel_loop3A_378] {strides = array<i32>} : memref<512x128xf32, #tpu.memory_space<vmem>>, vector<1x16xf32>,
      %parallel_loop3A_380 = vector.shape_cast %parallel_loop3A_379 : vector<1x16xf32> to vector<16xf32>
      %parallel_loop3A_381 = arith.mulf %parallel_loop3A_380, %parallel_loop3A_380 : vector<16xf32>
      %parallel_loop3A_382 = arith.addf %parallel_loop3A_374, %parallel_loop3A_381 : vector<16xf32>
      %parallel_loop3A_383 = arith.constant 5 : i32
      %parallel_loop3A_384 = arith.addi %parallel_loop3A_52, %parallel_loop3A_383 : i32
      %parallel_loop3A_385 = arith.index_cast %parallel_loop3A_384 : i32 to index
      %parallel_loop3A_386 = arith.constant 32 : index
      %parallel_loop3A_387 = tpu.vector_load %arg4[%parallel_loop3A_385, %parallel_loop3A_386] {strides = array<i32>} : memref<512x128xf32, #tpu.memory_space<vmem>>, vector<1x16xf32>,
      %parallel_loop3A_388 = vector.shape_cast %parallel_loop3A_387 : vector<1x16xf32> to vector<16xf32>
      %parallel_loop3A_389 = arith.mulf %parallel_loop3A_388, %parallel_loop3A_388 : vector<16xf32>
      %parallel_loop3A_390 = arith.addf %parallel_loop3A_382, %parallel_loop3A_389 : vector<16xf32>
      %parallel_loop3A_391 = arith.constant 5 : i32
      %parallel_loop3A_392 = arith.addi %parallel_loop3A_52, %parallel_loop3A_391 : i32
      %parallel_loop3A_393 = arith.index_cast %parallel_loop3A_392 : i32 to index
      %parallel_loop3A_394 = arith.constant 48 : index
      %parallel_loop3A_395 = tpu.vector_load %arg4[%parallel_loop3A_393, %parallel_loop3A_394] {strides = array<i32>} : memref<512x128xf32, #tpu.memory_space<vmem>>, vector<1x16xf32>,
      %parallel_loop3A_396 = vector.shape_cast %parallel_loop3A_395 : vector<1x16xf32> to vector<16xf32>
      %parallel_loop3A_397 = arith.mulf %parallel_loop3A_396, %parallel_loop3A_396 : vector<16xf32>
      %parallel_loop3A_398 = arith.addf %parallel_loop3A_390, %parallel_loop3A_397 : vector<16xf32>
      %parallel_loop3A_399 = arith.constant 5 : i32
      %parallel_loop3A_400 = arith.addi %parallel_loop3A_52, %parallel_loop3A_399 : i32
      %parallel_loop3A_401 = arith.index_cast %parallel_loop3A_400 : i32 to index
      %parallel_loop3A_402 = arith.constant 64 : index
      %parallel_loop3A_403 = tpu.vector_load %arg4[%parallel_loop3A_401, %parallel_loop3A_402] {strides = array<i32>} : memref<512x128xf32, #tpu.memory_space<vmem>>, vector<1x16xf32>,
      %parallel_loop3A_404 = vector.shape_cast %parallel_loop3A_403 : vector<1x16xf32> to vector<16xf32>
      %parallel_loop3A_405 = arith.mulf %parallel_loop3A_404, %parallel_loop3A_404 : vector<16xf32>
      %parallel_loop3A_406 = arith.addf %parallel_loop3A_398, %parallel_loop3A_405 : vector<16xf32>
      %parallel_loop3A_407 = arith.constant 5 : i32
      %parallel_loop3A_408 = arith.addi %parallel_loop3A_52, %parallel_loop3A_407 : i32
      %parallel_loop3A_409 = arith.index_cast %parallel_loop3A_408 : i32 to index
      %parallel_loop3A_410 = arith.constant 80 : index
      %parallel_loop3A_411 = tpu.vector_load %arg4[%parallel_loop3A_409, %parallel_loop3A_410] {strides = array<i32>} : memref<512x128xf32, #tpu.memory_space<vmem>>, vector<1x16xf32>,
      %parallel_loop3A_412 = vector.shape_cast %parallel_loop3A_411 : vector<1x16xf32> to vector<16xf32>
      %parallel_loop3A_413 = arith.mulf %parallel_loop3A_412, %parallel_loop3A_412 : vector<16xf32>
      %parallel_loop3A_414 = arith.addf %parallel_loop3A_406, %parallel_loop3A_413 : vector<16xf32>
      %parallel_loop3A_415 = arith.constant 5 : i32
      %parallel_loop3A_416 = arith.addi %parallel_loop3A_52, %parallel_loop3A_415 : i32
      %parallel_loop3A_417 = arith.index_cast %parallel_loop3A_416 : i32 to index
      %parallel_loop3A_418 = arith.constant 96 : index
      %parallel_loop3A_419 = tpu.vector_load %arg4[%parallel_loop3A_417, %parallel_loop3A_418] {strides = array<i32>} : memref<512x128xf32, #tpu.memory_space<vmem>>, vector<1x16xf32>,
      %parallel_loop3A_420 = vector.shape_cast %parallel_loop3A_419 : vector<1x16xf32> to vector<16xf32>
      %parallel_loop3A_421 = arith.mulf %parallel_loop3A_420, %parallel_loop3A_420 : vector<16xf32>
      %parallel_loop3A_422 = arith.addf %parallel_loop3A_414, %parallel_loop3A_421 : vector<16xf32>
      %parallel_loop3A_423 = arith.constant 5 : i32
      %parallel_loop3A_424 = arith.addi %parallel_loop3A_52, %parallel_loop3A_423 : i32
      %parallel_loop3A_425 = arith.index_cast %parallel_loop3A_424 : i32 to index
      %parallel_loop3A_426 = arith.constant 112 : index
      %parallel_loop3A_427 = tpu.vector_load %arg4[%parallel_loop3A_425, %parallel_loop3A_426] {strides = array<i32>} : memref<512x128xf32, #tpu.memory_space<vmem>>, vector<1x16xf32>,
      %parallel_loop3A_428 = vector.shape_cast %parallel_loop3A_427 : vector<1x16xf32> to vector<16xf32>
      %parallel_loop3A_429 = arith.mulf %parallel_loop3A_428, %parallel_loop3A_428 : vector<16xf32>
      %parallel_loop3A_430 = arith.addf %parallel_loop3A_422, %parallel_loop3A_429 : vector<16xf32>
      %parallel_loop3A_431 = arith.constant 6 : i32
      %parallel_loop3A_432 = arith.addi %parallel_loop3A_52, %parallel_loop3A_431 : i32
      %parallel_loop3A_433 = arith.index_cast %parallel_loop3A_432 : i32 to index
      %parallel_loop3A_434 = arith.constant 0 : index
      %parallel_loop3A_435 = tpu.vector_load %arg4[%parallel_loop3A_433, %parallel_loop3A_434] {strides = array<i32>} : memref<512x128xf32, #tpu.memory_space<vmem>>, vector<1x16xf32>,
      %parallel_loop3A_436 = vector.shape_cast %parallel_loop3A_435 : vector<1x16xf32> to vector<16xf32>
      %parallel_loop3A_437 = arith.mulf %parallel_loop3A_436, %parallel_loop3A_436 : vector<16xf32>
      %parallel_loop3A_438 = arith.constant 6 : i32
      %parallel_loop3A_439 = arith.addi %parallel_loop3A_52, %parallel_loop3A_438 : i32
      %parallel_loop3A_440 = arith.index_cast %parallel_loop3A_439 : i32 to index
      %parallel_loop3A_441 = arith.constant 16 : index
      %parallel_loop3A_442 = tpu.vector_load %arg4[%parallel_loop3A_440, %parallel_loop3A_441] {strides = array<i32>} : memref<512x128xf32, #tpu.memory_space<vmem>>, vector<1x16xf32>,
      %parallel_loop3A_443 = vector.shape_cast %parallel_loop3A_442 : vector<1x16xf32> to vector<16xf32>
      %parallel_loop3A_444 = arith.mulf %parallel_loop3A_443, %parallel_loop3A_443 : vector<16xf32>
      %parallel_loop3A_445 = arith.addf %parallel_loop3A_437, %parallel_loop3A_444 : vector<16xf32>
      %parallel_loop3A_446 = arith.constant 6 : i32
      %parallel_loop3A_447 = arith.addi %parallel_loop3A_52, %parallel_loop3A_446 : i32
      %parallel_loop3A_448 = arith.index_cast %parallel_loop3A_447 : i32 to index
      %parallel_loop3A_449 = arith.constant 32 : index
      %parallel_loop3A_450 = tpu.vector_load %arg4[%parallel_loop3A_448, %parallel_loop3A_449] {strides = array<i32>} : memref<512x128xf32, #tpu.memory_space<vmem>>, vector<1x16xf32>,
      %parallel_loop3A_451 = vector.shape_cast %parallel_loop3A_450 : vector<1x16xf32> to vector<16xf32>
      %parallel_loop3A_452 = arith.mulf %parallel_loop3A_451, %parallel_loop3A_451 : vector<16xf32>
      %parallel_loop3A_453 = arith.addf %parallel_loop3A_445, %parallel_loop3A_452 : vector<16xf32>
      %parallel_loop3A_454 = arith.constant 6 : i32
      %parallel_loop3A_455 = arith.addi %parallel_loop3A_52, %parallel_loop3A_454 : i32
      %parallel_loop3A_456 = arith.index_cast %parallel_loop3A_455 : i32 to index
      %parallel_loop3A_457 = arith.constant 48 : index
      %parallel_loop3A_458 = tpu.vector_load %arg4[%parallel_loop3A_456, %parallel_loop3A_457] {strides = array<i32>} : memref<512x128xf32, #tpu.memory_space<vmem>>, vector<1x16xf32>,
      %parallel_loop3A_459 = vector.shape_cast %parallel_loop3A_458 : vector<1x16xf32> to vector<16xf32>
      %parallel_loop3A_460 = arith.mulf %parallel_loop3A_459, %parallel_loop3A_459 : vector<16xf32>
      %parallel_loop3A_461 = arith.addf %parallel_loop3A_453, %parallel_loop3A_460 : vector<16xf32>
      %parallel_loop3A_462 = arith.constant 6 : i32
      %parallel_loop3A_463 = arith.addi %parallel_loop3A_52, %parallel_loop3A_462 : i32
      %parallel_loop3A_464 = arith.index_cast %parallel_loop3A_463 : i32 to index
      %parallel_loop3A_465 = arith.constant 64 : index
      %parallel_loop3A_466 = tpu.vector_load %arg4[%parallel_loop3A_464, %parallel_loop3A_465] {strides = array<i32>} : memref<512x128xf32, #tpu.memory_space<vmem>>, vector<1x16xf32>,
      %parallel_loop3A_467 = vector.shape_cast %parallel_loop3A_466 : vector<1x16xf32> to vector<16xf32>
      %parallel_loop3A_468 = arith.mulf %parallel_loop3A_467, %parallel_loop3A_467 : vector<16xf32>
      %parallel_loop3A_469 = arith.addf %parallel_loop3A_461, %parallel_loop3A_468 : vector<16xf32>
      %parallel_loop3A_470 = arith.constant 6 : i32
      %parallel_loop3A_471 = arith.addi %parallel_loop3A_52, %parallel_loop3A_470 : i32
      %parallel_loop3A_472 = arith.index_cast %parallel_loop3A_471 : i32 to index
      %parallel_loop3A_473 = arith.constant 80 : index
      %parallel_loop3A_474 = tpu.vector_load %arg4[%parallel_loop3A_472, %parallel_loop3A_473] {strides = array<i32>} : memref<512x128xf32, #tpu.memory_space<vmem>>, vector<1x16xf32>,
      %parallel_loop3A_475 = vector.shape_cast %parallel_loop3A_474 : vector<1x16xf32> to vector<16xf32>
      %parallel_loop3A_476 = arith.mulf %parallel_loop3A_475, %parallel_loop3A_475 : vector<16xf32>
      %parallel_loop3A_477 = arith.addf %parallel_loop3A_469, %parallel_loop3A_476 : vector<16xf32>
      %parallel_loop3A_478 = arith.constant 6 : i32
      %parallel_loop3A_479 = arith.addi %parallel_loop3A_52, %parallel_loop3A_478 : i32
      %parallel_loop3A_480 = arith.index_cast %parallel_loop3A_479 : i32 to index
      %parallel_loop3A_481 = arith.constant 96 : index
      %parallel_loop3A_482 = tpu.vector_load %arg4[%parallel_loop3A_480, %parallel_loop3A_481] {strides = array<i32>} : memref<512x128xf32, #tpu.memory_space<vmem>>, vector<1x16xf32>,
      %parallel_loop3A_483 = vector.shape_cast %parallel_loop3A_482 : vector<1x16xf32> to vector<16xf32>
      %parallel_loop3A_484 = arith.mulf %parallel_loop3A_483, %parallel_loop3A_483 : vector<16xf32>
      %parallel_loop3A_485 = arith.addf %parallel_loop3A_477, %parallel_loop3A_484 : vector<16xf32>
      %parallel_loop3A_486 = arith.constant 6 : i32
      %parallel_loop3A_487 = arith.addi %parallel_loop3A_52, %parallel_loop3A_486 : i32
      %parallel_loop3A_488 = arith.index_cast %parallel_loop3A_487 : i32 to index
      %parallel_loop3A_489 = arith.constant 112 : index
      %parallel_loop3A_490 = tpu.vector_load %arg4[%parallel_loop3A_488, %parallel_loop3A_489] {strides = array<i32>} : memref<512x128xf32, #tpu.memory_space<vmem>>, vector<1x16xf32>,
      %parallel_loop3A_491 = vector.shape_cast %parallel_loop3A_490 : vector<1x16xf32> to vector<16xf32>
      %parallel_loop3A_492 = arith.mulf %parallel_loop3A_491, %parallel_loop3A_491 : vector<16xf32>
      %parallel_loop3A_493 = arith.addf %parallel_loop3A_485, %parallel_loop3A_492 : vector<16xf32>
      %parallel_loop3A_494 = arith.constant 7 : i32
      %parallel_loop3A_495 = arith.addi %parallel_loop3A_52, %parallel_loop3A_494 : i32
      %parallel_loop3A_496 = arith.index_cast %parallel_loop3A_495 : i32 to index
      %parallel_loop3A_497 = arith.constant 0 : index
      %parallel_loop3A_498 = tpu.vector_load %arg4[%parallel_loop3A_496, %parallel_loop3A_497] {strides = array<i32>} : memref<512x128xf32, #tpu.memory_space<vmem>>, vector<1x16xf32>,
      %parallel_loop3A_499 = vector.shape_cast %parallel_loop3A_498 : vector<1x16xf32> to vector<16xf32>
      %parallel_loop3A_500 = arith.mulf %parallel_loop3A_499, %parallel_loop3A_499 : vector<16xf32>
      %parallel_loop3A_501 = arith.constant 7 : i32
      %parallel_loop3A_502 = arith.addi %parallel_loop3A_52, %parallel_loop3A_501 : i32
      %parallel_loop3A_503 = arith.index_cast %parallel_loop3A_502 : i32 to index
      %parallel_loop3A_504 = arith.constant 16 : index
      %parallel_loop3A_505 = tpu.vector_load %arg4[%parallel_loop3A_503, %parallel_loop3A_504] {strides = array<i32>} : memref<512x128xf32, #tpu.memory_space<vmem>>, vector<1x16xf32>,
      %parallel_loop3A_506 = vector.shape_cast %parallel_loop3A_505 : vector<1x16xf32> to vector<16xf32>
      %parallel_loop3A_507 = arith.mulf %parallel_loop3A_506, %parallel_loop3A_506 : vector<16xf32>
      %parallel_loop3A_508 = arith.addf %parallel_loop3A_500, %parallel_loop3A_507 : vector<16xf32>
      %parallel_loop3A_509 = arith.constant 7 : i32
      %parallel_loop3A_510 = arith.addi %parallel_loop3A_52, %parallel_loop3A_509 : i32
      %parallel_loop3A_511 = arith.index_cast %parallel_loop3A_510 : i32 to index
      %parallel_loop3A_512 = arith.constant 32 : index
      %parallel_loop3A_513 = tpu.vector_load %arg4[%parallel_loop3A_511, %parallel_loop3A_512] {strides = array<i32>} : memref<512x128xf32, #tpu.memory_space<vmem>>, vector<1x16xf32>,
      %parallel_loop3A_514 = vector.shape_cast %parallel_loop3A_513 : vector<1x16xf32> to vector<16xf32>
      %parallel_loop3A_515 = arith.mulf %parallel_loop3A_514, %parallel_loop3A_514 : vector<16xf32>
      %parallel_loop3A_516 = arith.addf %parallel_loop3A_508, %parallel_loop3A_515 : vector<16xf32>
      %parallel_loop3A_517 = arith.constant 7 : i32
      %parallel_loop3A_518 = arith.addi %parallel_loop3A_52, %parallel_loop3A_517 : i32
      %parallel_loop3A_519 = arith.index_cast %parallel_loop3A_518 : i32 to index
      %parallel_loop3A_520 = arith.constant 48 : index
      %parallel_loop3A_521 = tpu.vector_load %arg4[%parallel_loop3A_519, %parallel_loop3A_520] {strides = array<i32>} : memref<512x128xf32, #tpu.memory_space<vmem>>, vector<1x16xf32>,
      %parallel_loop3A_522 = vector.shape_cast %parallel_loop3A_521 : vector<1x16xf32> to vector<16xf32>
      %parallel_loop3A_523 = arith.mulf %parallel_loop3A_522, %parallel_loop3A_522 : vector<16xf32>
      %parallel_loop3A_524 = arith.addf %parallel_loop3A_516, %parallel_loop3A_523 : vector<16xf32>
      %parallel_loop3A_525 = arith.constant 7 : i32
      %parallel_loop3A_526 = arith.addi %parallel_loop3A_52, %parallel_loop3A_525 : i32
      %parallel_loop3A_527 = arith.index_cast %parallel_loop3A_526 : i32 to index
      %parallel_loop3A_528 = arith.constant 64 : index
      %parallel_loop3A_529 = tpu.vector_load %arg4[%parallel_loop3A_527, %parallel_loop3A_528] {strides = array<i32>} : memref<512x128xf32, #tpu.memory_space<vmem>>, vector<1x16xf32>,
      %parallel_loop3A_530 = vector.shape_cast %parallel_loop3A_529 : vector<1x16xf32> to vector<16xf32>
      %parallel_loop3A_531 = arith.mulf %parallel_loop3A_530, %parallel_loop3A_530 : vector<16xf32>
      %parallel_loop3A_532 = arith.addf %parallel_loop3A_524, %parallel_loop3A_531 : vector<16xf32>
      %parallel_loop3A_533 = arith.constant 7 : i32
      %parallel_loop3A_534 = arith.addi %parallel_loop3A_52, %parallel_loop3A_533 : i32
      %parallel_loop3A_535 = arith.index_cast %parallel_loop3A_534 : i32 to index
      %parallel_loop3A_536 = arith.constant 80 : index
      %parallel_loop3A_537 = tpu.vector_load %arg4[%parallel_loop3A_535, %parallel_loop3A_536] {strides = array<i32>} : memref<512x128xf32, #tpu.memory_space<vmem>>, vector<1x16xf32>,
      %parallel_loop3A_538 = vector.shape_cast %parallel_loop3A_537 : vector<1x16xf32> to vector<16xf32>
      %parallel_loop3A_539 = arith.mulf %parallel_loop3A_538, %parallel_loop3A_538 : vector<16xf32>
      %parallel_loop3A_540 = arith.addf %parallel_loop3A_532, %parallel_loop3A_539 : vector<16xf32>
      %parallel_loop3A_541 = arith.constant 7 : i32
      %parallel_loop3A_542 = arith.addi %parallel_loop3A_52, %parallel_loop3A_541 : i32
      %parallel_loop3A_543 = arith.index_cast %parallel_loop3A_542 : i32 to index
      %parallel_loop3A_544 = arith.constant 96 : index
      %parallel_loop3A_545 = tpu.vector_load %arg4[%parallel_loop3A_543, %parallel_loop3A_544] {strides = array<i32>} : memref<512x128xf32, #tpu.memory_space<vmem>>, vector<1x16xf32>,
      %parallel_loop3A_546 = vector.shape_cast %parallel_loop3A_545 : vector<1x16xf32> to vector<16xf32>
      %parallel_loop3A_547 = arith.mulf %parallel_loop3A_546, %parallel_loop3A_546 : vector<16xf32>
      %parallel_loop3A_548 = arith.addf %parallel_loop3A_540, %parallel_loop3A_547 : vector<16xf32>
      %parallel_loop3A_549 = arith.constant 7 : i32
      %parallel_loop3A_550 = arith.addi %parallel_loop3A_52, %parallel_loop3A_549 : i32
      %parallel_loop3A_551 = arith.index_cast %parallel_loop3A_550 : i32 to index
      %parallel_loop3A_552 = arith.constant 112 : index
      %parallel_loop3A_553 = tpu.vector_load %arg4[%parallel_loop3A_551, %parallel_loop3A_552] {strides = array<i32>} : memref<512x128xf32, #tpu.memory_space<vmem>>, vector<1x16xf32>,
      %parallel_loop3A_554 = vector.shape_cast %parallel_loop3A_553 : vector<1x16xf32> to vector<16xf32>
      %parallel_loop3A_555 = arith.mulf %parallel_loop3A_554, %parallel_loop3A_554 : vector<16xf32>
      %parallel_loop3A_556 = arith.addf %parallel_loop3A_548, %parallel_loop3A_555 : vector<16xf32>
      %parallel_loop3A_557 = arith.constant 8 : i32
      %parallel_loop3A_558 = arith.addi %parallel_loop3A_52, %parallel_loop3A_557 : i32
      %parallel_loop3A_559 = arith.index_cast %parallel_loop3A_558 : i32 to index
      %parallel_loop3A_560 = arith.constant 0 : index
      %parallel_loop3A_561 = tpu.vector_load %arg4[%parallel_loop3A_559, %parallel_loop3A_560] {strides = array<i32>} : memref<512x128xf32, #tpu.memory_space<vmem>>, vector<1x16xf32>,
      %parallel_loop3A_562 = vector.shape_cast %parallel_loop3A_561 : vector<1x16xf32> to vector<16xf32>
      %parallel_loop3A_563 = arith.mulf %parallel_loop3A_562, %parallel_loop3A_562 : vector<16xf32>
      %parallel_loop3A_564 = arith.constant 8 : i32
      %parallel_loop3A_565 = arith.addi %parallel_loop3A_52, %parallel_loop3A_564 : i32
      %parallel_loop3A_566 = arith.index_cast %parallel_loop3A_565 : i32 to index
      %parallel_loop3A_567 = arith.constant 16 : index
      %parallel_loop3A_568 = tpu.vector_load %arg4[%parallel_loop3A_566, %parallel_loop3A_567] {strides = array<i32>} : memref<512x128xf32, #tpu.memory_space<vmem>>, vector<1x16xf32>,
      %parallel_loop3A_569 = vector.shape_cast %parallel_loop3A_568 : vector<1x16xf32> to vector<16xf32>
      %parallel_loop3A_570 = arith.mulf %parallel_loop3A_569, %parallel_loop3A_569 : vector<16xf32>
      %parallel_loop3A_571 = arith.addf %parallel_loop3A_563, %parallel_loop3A_570 : vector<16xf32>
      %parallel_loop3A_572 = arith.constant 8 : i32
      %parallel_loop3A_573 = arith.addi %parallel_loop3A_52, %parallel_loop3A_572 : i32
      %parallel_loop3A_574 = arith.index_cast %parallel_loop3A_573 : i32 to index
      %parallel_loop3A_575 = arith.constant 32 : index
      %parallel_loop3A_576 = tpu.vector_load %arg4[%parallel_loop3A_574, %parallel_loop3A_575] {strides = array<i32>} : memref<512x128xf32, #tpu.memory_space<vmem>>, vector<1x16xf32>,
      %parallel_loop3A_577 = vector.shape_cast %parallel_loop3A_576 : vector<1x16xf32> to vector<16xf32>
      %parallel_loop3A_578 = arith.mulf %parallel_loop3A_577, %parallel_loop3A_577 : vector<16xf32>
      %parallel_loop3A_579 = arith.addf %parallel_loop3A_571, %parallel_loop3A_578 : vector<16xf32>
      %parallel_loop3A_580 = arith.constant 8 : i32
      %parallel_loop3A_581 = arith.addi %parallel_loop3A_52, %parallel_loop3A_580 : i32
      %parallel_loop3A_582 = arith.index_cast %parallel_loop3A_581 : i32 to index
      %parallel_loop3A_583 = arith.constant 48 : index
      %parallel_loop3A_584 = tpu.vector_load %arg4[%parallel_loop3A_582, %parallel_loop3A_583] {strides = array<i32>} : memref<512x128xf32, #tpu.memory_space<vmem>>, vector<1x16xf32>,
      %parallel_loop3A_585 = vector.shape_cast %parallel_loop3A_584 : vector<1x16xf32> to vector<16xf32>
      %parallel_loop3A_586 = arith.mulf %parallel_loop3A_585, %parallel_loop3A_585 : vector<16xf32>
      %parallel_loop3A_587 = arith.addf %parallel_loop3A_579, %parallel_loop3A_586 : vector<16xf32>
      %parallel_loop3A_588 = arith.constant 8 : i32
      %parallel_loop3A_589 = arith.addi %parallel_loop3A_52, %parallel_loop3A_588 : i32
      %parallel_loop3A_590 = arith.index_cast %parallel_loop3A_589 : i32 to index
      %parallel_loop3A_591 = arith.constant 64 : index
      %parallel_loop3A_592 = tpu.vector_load %arg4[%parallel_loop3A_590, %parallel_loop3A_591] {strides = array<i32>} : memref<512x128xf32, #tpu.memory_space<vmem>>, vector<1x16xf32>,
      %parallel_loop3A_593 = vector.shape_cast %parallel_loop3A_592 : vector<1x16xf32> to vector<16xf32>
      %parallel_loop3A_594 = arith.mulf %parallel_loop3A_593, %parallel_loop3A_593 : vector<16xf32>
      %parallel_loop3A_595 = arith.addf %parallel_loop3A_587, %parallel_loop3A_594 : vector<16xf32>
      %parallel_loop3A_596 = arith.constant 8 : i32
      %parallel_loop3A_597 = arith.addi %parallel_loop3A_52, %parallel_loop3A_596 : i32
      %parallel_loop3A_598 = arith.index_cast %parallel_loop3A_597 : i32 to index
      %parallel_loop3A_599 = arith.constant 80 : index
      %parallel_loop3A_600 = tpu.vector_load %arg4[%parallel_loop3A_598, %parallel_loop3A_599] {strides = array<i32>} : memref<512x128xf32, #tpu.memory_space<vmem>>, vector<1x16xf32>,
      %parallel_loop3A_601 = vector.shape_cast %parallel_loop3A_600 : vector<1x16xf32> to vector<16xf32>
      %parallel_loop3A_602 = arith.mulf %parallel_loop3A_601, %parallel_loop3A_601 : vector<16xf32>
      %parallel_loop3A_603 = arith.addf %parallel_loop3A_595, %parallel_loop3A_602 : vector<16xf32>
      %parallel_loop3A_604 = arith.constant 8 : i32
      %parallel_loop3A_605 = arith.addi %parallel_loop3A_52, %parallel_loop3A_604 : i32
      %parallel_loop3A_606 = arith.index_cast %parallel_loop3A_605 : i32 to index
      %parallel_loop3A_607 = arith.constant 96 : index
      %parallel_loop3A_608 = tpu.vector_load %arg4[%parallel_loop3A_606, %parallel_loop3A_607] {strides = array<i32>} : memref<512x128xf32, #tpu.memory_space<vmem>>, vector<1x16xf32>,
      %parallel_loop3A_609 = vector.shape_cast %parallel_loop3A_608 : vector<1x16xf32> to vector<16xf32>
      %parallel_loop3A_610 = arith.mulf %parallel_loop3A_609, %parallel_loop3A_609 : vector<16xf32>
      %parallel_loop3A_611 = arith.addf %parallel_loop3A_603, %parallel_loop3A_610 : vector<16xf32>
      %parallel_loop3A_612 = arith.constant 8 : i32
      %parallel_loop3A_613 = arith.addi %parallel_loop3A_52, %parallel_loop3A_612 : i32
      %parallel_loop3A_614 = arith.index_cast %parallel_loop3A_613 : i32 to index
      %parallel_loop3A_615 = arith.constant 112 : index
      %parallel_loop3A_616 = tpu.vector_load %arg4[%parallel_loop3A_614, %parallel_loop3A_615] {strides = array<i32>} : memref<512x128xf32, #tpu.memory_space<vmem>>, vector<1x16xf32>,
      %parallel_loop3A_617 = vector.shape_cast %parallel_loop3A_616 : vector<1x16xf32> to vector<16xf32>
      %parallel_loop3A_618 = arith.mulf %parallel_loop3A_617, %parallel_loop3A_617 : vector<16xf32>
      %parallel_loop3A_619 = arith.addf %parallel_loop3A_611, %parallel_loop3A_618 : vector<16xf32>
      %parallel_loop3A_620 = arith.constant 9 : i32
      %parallel_loop3A_621 = arith.addi %parallel_loop3A_52, %parallel_loop3A_620 : i32
      %parallel_loop3A_622 = arith.index_cast %parallel_loop3A_621 : i32 to index
      %parallel_loop3A_623 = arith.constant 0 : index
      %parallel_loop3A_624 = tpu.vector_load %arg4[%parallel_loop3A_622, %parallel_loop3A_623] {strides = array<i32>} : memref<512x128xf32, #tpu.memory_space<vmem>>, vector<1x16xf32>,
      %parallel_loop3A_625 = vector.shape_cast %parallel_loop3A_624 : vector<1x16xf32> to vector<16xf32>
      %parallel_loop3A_626 = arith.mulf %parallel_loop3A_625, %parallel_loop3A_625 : vector<16xf32>
      %parallel_loop3A_627 = arith.constant 9 : i32
      %parallel_loop3A_628 = arith.addi %parallel_loop3A_52, %parallel_loop3A_627 : i32
      %parallel_loop3A_629 = arith.index_cast %parallel_loop3A_628 : i32 to index
      %parallel_loop3A_630 = arith.constant 16 : index
      %parallel_loop3A_631 = tpu.vector_load %arg4[%parallel_loop3A_629, %parallel_loop3A_630] {strides = array<i32>} : memref<512x128xf32, #tpu.memory_space<vmem>>, vector<1x16xf32>,
      %parallel_loop3A_632 = vector.shape_cast %parallel_loop3A_631 : vector<1x16xf32> to vector<16xf32>
      %parallel_loop3A_633 = arith.mulf %parallel_loop3A_632, %parallel_loop3A_632 : vector<16xf32>
      %parallel_loop3A_634 = arith.addf %parallel_loop3A_626, %parallel_loop3A_633 : vector<16xf32>
      %parallel_loop3A_635 = arith.constant 9 : i32
      %parallel_loop3A_636 = arith.addi %parallel_loop3A_52, %parallel_loop3A_635 : i32
      %parallel_loop3A_637 = arith.index_cast %parallel_loop3A_636 : i32 to index
      %parallel_loop3A_638 = arith.constant 32 : index
      %parallel_loop3A_639 = tpu.vector_load %arg4[%parallel_loop3A_637, %parallel_loop3A_638] {strides = array<i32>} : memref<512x128xf32, #tpu.memory_space<vmem>>, vector<1x16xf32>,
      %parallel_loop3A_640 = vector.shape_cast %parallel_loop3A_639 : vector<1x16xf32> to vector<16xf32>
      %parallel_loop3A_641 = arith.mulf %parallel_loop3A_640, %parallel_loop3A_640 : vector<16xf32>
      %parallel_loop3A_642 = arith.addf %parallel_loop3A_634, %parallel_loop3A_641 : vector<16xf32>
      %parallel_loop3A_643 = arith.constant 9 : i32
      %parallel_loop3A_644 = arith.addi %parallel_loop3A_52, %parallel_loop3A_643 : i32
      %parallel_loop3A_645 = arith.index_cast %parallel_loop3A_644 : i32 to index
      %parallel_loop3A_646 = arith.constant 48 : index
      %parallel_loop3A_647 = tpu.vector_load %arg4[%parallel_loop3A_645, %parallel_loop3A_646] {strides = array<i32>} : memref<512x128xf32, #tpu.memory_space<vmem>>, vector<1x16xf32>,
      %parallel_loop3A_648 = vector.shape_cast %parallel_loop3A_647 : vector<1x16xf32> to vector<16xf32>
      %parallel_loop3A_649 = arith.mulf %parallel_loop3A_648, %parallel_loop3A_648 : vector<16xf32>
      %parallel_loop3A_650 = arith.addf %parallel_loop3A_642, %parallel_loop3A_649 : vector<16xf32>
      %parallel_loop3A_651 = arith.constant 9 : i32
      %parallel_loop3A_652 = arith.addi %parallel_loop3A_52, %parallel_loop3A_651 : i32
      %parallel_loop3A_653 = arith.index_cast %parallel_loop3A_652 : i32 to index
      %parallel_loop3A_654 = arith.constant 64 : index
      %parallel_loop3A_655 = tpu.vector_load %arg4[%parallel_loop3A_653, %parallel_loop3A_654] {strides = array<i32>} : memref<512x128xf32, #tpu.memory_space<vmem>>, vector<1x16xf32>,
      %parallel_loop3A_656 = vector.shape_cast %parallel_loop3A_655 : vector<1x16xf32> to vector<16xf32>
      %parallel_loop3A_657 = arith.mulf %parallel_loop3A_656, %parallel_loop3A_656 : vector<16xf32>
      %parallel_loop3A_658 = arith.addf %parallel_loop3A_650, %parallel_loop3A_657 : vector<16xf32>
      %parallel_loop3A_659 = arith.constant 9 : i32
      %parallel_loop3A_660 = arith.addi %parallel_loop3A_52, %parallel_loop3A_659 : i32
      %parallel_loop3A_661 = arith.index_cast %parallel_loop3A_660 : i32 to index
      %parallel_loop3A_662 = arith.constant 80 : index
      %parallel_loop3A_663 = tpu.vector_load %arg4[%parallel_loop3A_661, %parallel_loop3A_662] {strides = array<i32>} : memref<512x128xf32, #tpu.memory_space<vmem>>, vector<1x16xf32>,
      %parallel_loop3A_664 = vector.shape_cast %parallel_loop3A_663 : vector<1x16xf32> to vector<16xf32>
      %parallel_loop3A_665 = arith.mulf %parallel_loop3A_664, %parallel_loop3A_664 : vector<16xf32>
      %parallel_loop3A_666 = arith.addf %parallel_loop3A_658, %parallel_loop3A_665 : vector<16xf32>
      %parallel_loop3A_667 = arith.constant 9 : i32
      %parallel_loop3A_668 = arith.addi %parallel_loop3A_52, %parallel_loop3A_667 : i32
      %parallel_loop3A_669 = arith.index_cast %parallel_loop3A_668 : i32 to index
      %parallel_loop3A_670 = arith.constant 96 : index
      %parallel_loop3A_671 = tpu.vector_load %arg4[%parallel_loop3A_669, %parallel_loop3A_670] {strides = array<i32>} : memref<512x128xf32, #tpu.memory_space<vmem>>, vector<1x16xf32>,
      %parallel_loop3A_672 = vector.shape_cast %parallel_loop3A_671 : vector<1x16xf32> to vector<16xf32>
      %parallel_loop3A_673 = arith.mulf %parallel_loop3A_672, %parallel_loop3A_672 : vector<16xf32>
      %parallel_loop3A_674 = arith.addf %parallel_loop3A_666, %parallel_loop3A_673 : vector<16xf32>
      %parallel_loop3A_675 = arith.constant 9 : i32
      %parallel_loop3A_676 = arith.addi %parallel_loop3A_52, %parallel_loop3A_675 : i32
      %parallel_loop3A_677 = arith.index_cast %parallel_loop3A_676 : i32 to index
      %parallel_loop3A_678 = arith.constant 112 : index
      %parallel_loop3A_679 = tpu.vector_load %arg4[%parallel_loop3A_677, %parallel_loop3A_678] {strides = array<i32>} : memref<512x128xf32, #tpu.memory_space<vmem>>, vector<1x16xf32>,
      %parallel_loop3A_680 = vector.shape_cast %parallel_loop3A_679 : vector<1x16xf32> to vector<16xf32>
      %parallel_loop3A_681 = arith.mulf %parallel_loop3A_680, %parallel_loop3A_680 : vector<16xf32>
      %parallel_loop3A_682 = arith.addf %parallel_loop3A_674, %parallel_loop3A_681 : vector<16xf32>
      %parallel_loop3A_683 = arith.constant 10 : i32
      %parallel_loop3A_684 = arith.addi %parallel_loop3A_52, %parallel_loop3A_683 : i32
      %parallel_loop3A_685 = arith.index_cast %parallel_loop3A_684 : i32 to index
      %parallel_loop3A_686 = arith.constant 0 : index
      %parallel_loop3A_687 = tpu.vector_load %arg4[%parallel_loop3A_685, %parallel_loop3A_686] {strides = array<i32>} : memref<512x128xf32, #tpu.memory_space<vmem>>, vector<1x16xf32>,
      %parallel_loop3A_688 = vector.shape_cast %parallel_loop3A_687 : vector<1x16xf32> to vector<16xf32>
      %parallel_loop3A_689 = arith.mulf %parallel_loop3A_688, %parallel_loop3A_688 : vector<16xf32>
      %parallel_loop3A_690 = arith.constant 10 : i32
      %parallel_loop3A_691 = arith.addi %parallel_loop3A_52, %parallel_loop3A_690 : i32
      %parallel_loop3A_692 = arith.index_cast %parallel_loop3A_691 : i32 to index
      %parallel_loop3A_693 = arith.constant 16 : index
      %parallel_loop3A_694 = tpu.vector_load %arg4[%parallel_loop3A_692, %parallel_loop3A_693] {strides = array<i32>} : memref<512x128xf32, #tpu.memory_space<vmem>>, vector<1x16xf32>,
      %parallel_loop3A_695 = vector.shape_cast %parallel_loop3A_694 : vector<1x16xf32> to vector<16xf32>
      %parallel_loop3A_696 = arith.mulf %parallel_loop3A_695, %parallel_loop3A_695 : vector<16xf32>
      %parallel_loop3A_697 = arith.addf %parallel_loop3A_689, %parallel_loop3A_696 : vector<16xf32>
      %parallel_loop3A_698 = arith.constant 10 : i32
      %parallel_loop3A_699 = arith.addi %parallel_loop3A_52, %parallel_loop3A_698 : i32
      %parallel_loop3A_700 = arith.index_cast %parallel_loop3A_699 : i32 to index
      %parallel_loop3A_701 = arith.constant 32 : index
      %parallel_loop3A_702 = tpu.vector_load %arg4[%parallel_loop3A_700, %parallel_loop3A_701] {strides = array<i32>} : memref<512x128xf32, #tpu.memory_space<vmem>>, vector<1x16xf32>,
      %parallel_loop3A_703 = vector.shape_cast %parallel_loop3A_702 : vector<1x16xf32> to vector<16xf32>
      %parallel_loop3A_704 = arith.mulf %parallel_loop3A_703, %parallel_loop3A_703 : vector<16xf32>
      %parallel_loop3A_705 = arith.addf %parallel_loop3A_697, %parallel_loop3A_704 : vector<16xf32>
      %parallel_loop3A_706 = arith.constant 10 : i32
      %parallel_loop3A_707 = arith.addi %parallel_loop3A_52, %parallel_loop3A_706 : i32
      %parallel_loop3A_708 = arith.index_cast %parallel_loop3A_707 : i32 to index
      %parallel_loop3A_709 = arith.constant 48 : index
      %parallel_loop3A_710 = tpu.vector_load %arg4[%parallel_loop3A_708, %parallel_loop3A_709] {strides = array<i32>} : memref<512x128xf32, #tpu.memory_space<vmem>>, vector<1x16xf32>,
      %parallel_loop3A_711 = vector.shape_cast %parallel_loop3A_710 : vector<1x16xf32> to vector<16xf32>
      %parallel_loop3A_712 = arith.mulf %parallel_loop3A_711, %parallel_loop3A_711 : vector<16xf32>
      %parallel_loop3A_713 = arith.addf %parallel_loop3A_705, %parallel_loop3A_712 : vector<16xf32>
      %parallel_loop3A_714 = arith.constant 10 : i32
      %parallel_loop3A_715 = arith.addi %parallel_loop3A_52, %parallel_loop3A_714 : i32
      %parallel_loop3A_716 = arith.index_cast %parallel_loop3A_715 : i32 to index
      %parallel_loop3A_717 = arith.constant 64 : index
      %parallel_loop3A_718 = tpu.vector_load %arg4[%parallel_loop3A_716, %parallel_loop3A_717] {strides = array<i32>} : memref<512x128xf32, #tpu.memory_space<vmem>>, vector<1x16xf32>,
      %parallel_loop3A_719 = vector.shape_cast %parallel_loop3A_718 : vector<1x16xf32> to vector<16xf32>
      %parallel_loop3A_720 = arith.mulf %parallel_loop3A_719, %parallel_loop3A_719 : vector<16xf32>
      %parallel_loop3A_721 = arith.addf %parallel_loop3A_713, %parallel_loop3A_720 : vector<16xf32>
      %parallel_loop3A_722 = arith.constant 10 : i32
      %parallel_loop3A_723 = arith.addi %parallel_loop3A_52, %parallel_loop3A_722 : i32
      %parallel_loop3A_724 = arith.index_cast %parallel_loop3A_723 : i32 to index
      %parallel_loop3A_725 = arith.constant 80 : index
      %parallel_loop3A_726 = tpu.vector_load %arg4[%parallel_loop3A_724, %parallel_loop3A_725] {strides = array<i32>} : memref<512x128xf32, #tpu.memory_space<vmem>>, vector<1x16xf32>,
      %parallel_loop3A_727 = vector.shape_cast %parallel_loop3A_726 : vector<1x16xf32> to vector<16xf32>
      %parallel_loop3A_728 = arith.mulf %parallel_loop3A_727, %parallel_loop3A_727 : vector<16xf32>
      %parallel_loop3A_729 = arith.addf %parallel_loop3A_721, %parallel_loop3A_728 : vector<16xf32>
      %parallel_loop3A_730 = arith.constant 10 : i32
      %parallel_loop3A_731 = arith.addi %parallel_loop3A_52, %parallel_loop3A_730 : i32
      %parallel_loop3A_732 = arith.index_cast %parallel_loop3A_731 : i32 to index
      %parallel_loop3A_733 = arith.constant 96 : index
      %parallel_loop3A_734 = tpu.vector_load %arg4[%parallel_loop3A_732, %parallel_loop3A_733] {strides = array<i32>} : memref<512x128xf32, #tpu.memory_space<vmem>>, vector<1x16xf32>,
      %parallel_loop3A_735 = vector.shape_cast %parallel_loop3A_734 : vector<1x16xf32> to vector<16xf32>
      %parallel_loop3A_736 = arith.mulf %parallel_loop3A_735, %parallel_loop3A_735 : vector<16xf32>
      %parallel_loop3A_737 = arith.addf %parallel_loop3A_729, %parallel_loop3A_736 : vector<16xf32>
      %parallel_loop3A_738 = arith.constant 10 : i32
      %parallel_loop3A_739 = arith.addi %parallel_loop3A_52, %parallel_loop3A_738 : i32
      %parallel_loop3A_740 = arith.index_cast %parallel_loop3A_739 : i32 to index
      %parallel_loop3A_741 = arith.constant 112 : index
      %parallel_loop3A_742 = tpu.vector_load %arg4[%parallel_loop3A_740, %parallel_loop3A_741] {strides = array<i32>} : memref<512x128xf32, #tpu.memory_space<vmem>>, vector<1x16xf32>,
      %parallel_loop3A_743 = vector.shape_cast %parallel_loop3A_742 : vector<1x16xf32> to vector<16xf32>
      %parallel_loop3A_744 = arith.mulf %parallel_loop3A_743, %parallel_loop3A_743 : vector<16xf32>
      %parallel_loop3A_745 = arith.addf %parallel_loop3A_737, %parallel_loop3A_744 : vector<16xf32>
      %parallel_loop3A_746 = arith.constant 11 : i32
      %parallel_loop3A_747 = arith.addi %parallel_loop3A_52, %parallel_loop3A_746 : i32
      %parallel_loop3A_748 = arith.index_cast %parallel_loop3A_747 : i32 to index
      %parallel_loop3A_749 = arith.constant 0 : index
      %parallel_loop3A_750 = tpu.vector_load %arg4[%parallel_loop3A_748, %parallel_loop3A_749] {strides = array<i32>} : memref<512x128xf32, #tpu.memory_space<vmem>>, vector<1x16xf32>,
      %parallel_loop3A_751 = vector.shape_cast %parallel_loop3A_750 : vector<1x16xf32> to vector<16xf32>
      %parallel_loop3A_752 = arith.mulf %parallel_loop3A_751, %parallel_loop3A_751 : vector<16xf32>
      %parallel_loop3A_753 = arith.constant 11 : i32
      %parallel_loop3A_754 = arith.addi %parallel_loop3A_52, %parallel_loop3A_753 : i32
      %parallel_loop3A_755 = arith.index_cast %parallel_loop3A_754 : i32 to index
      %parallel_loop3A_756 = arith.constant 16 : index
      %parallel_loop3A_757 = tpu.vector_load %arg4[%parallel_loop3A_755, %parallel_loop3A_756] {strides = array<i32>} : memref<512x128xf32, #tpu.memory_space<vmem>>, vector<1x16xf32>,
      %parallel_loop3A_758 = vector.shape_cast %parallel_loop3A_757 : vector<1x16xf32> to vector<16xf32>
      %parallel_loop3A_759 = arith.mulf %parallel_loop3A_758, %parallel_loop3A_758 : vector<16xf32>
      %parallel_loop3A_760 = arith.addf %parallel_loop3A_752, %parallel_loop3A_759 : vector<16xf32>
      %parallel_loop3A_761 = arith.constant 11 : i32
      %parallel_loop3A_762 = arith.addi %parallel_loop3A_52, %parallel_loop3A_761 : i32
      %parallel_loop3A_763 = arith.index_cast %parallel_loop3A_762 : i32 to index
      %parallel_loop3A_764 = arith.constant 32 : index
      %parallel_loop3A_765 = tpu.vector_load %arg4[%parallel_loop3A_763, %parallel_loop3A_764] {strides = array<i32>} : memref<512x128xf32, #tpu.memory_space<vmem>>, vector<1x16xf32>,
      %parallel_loop3A_766 = vector.shape_cast %parallel_loop3A_765 : vector<1x16xf32> to vector<16xf32>
      %parallel_loop3A_767 = arith.mulf %parallel_loop3A_766, %parallel_loop3A_766 : vector<16xf32>
      %parallel_loop3A_768 = arith.addf %parallel_loop3A_760, %parallel_loop3A_767 : vector<16xf32>
      %parallel_loop3A_769 = arith.constant 11 : i32
      %parallel_loop3A_770 = arith.addi %parallel_loop3A_52, %parallel_loop3A_769 : i32
      %parallel_loop3A_771 = arith.index_cast %parallel_loop3A_770 : i32 to index
      %parallel_loop3A_772 = arith.constant 48 : index
      %parallel_loop3A_773 = tpu.vector_load %arg4[%parallel_loop3A_771, %parallel_loop3A_772] {strides = array<i32>} : memref<512x128xf32, #tpu.memory_space<vmem>>, vector<1x16xf32>,
      %parallel_loop3A_774 = vector.shape_cast %parallel_loop3A_773 : vector<1x16xf32> to vector<16xf32>
      %parallel_loop3A_775 = arith.mulf %parallel_loop3A_774, %parallel_loop3A_774 : vector<16xf32>
      %parallel_loop3A_776 = arith.addf %parallel_loop3A_768, %parallel_loop3A_775 : vector<16xf32>
      %parallel_loop3A_777 = arith.constant 11 : i32
      %parallel_loop3A_778 = arith.addi %parallel_loop3A_52, %parallel_loop3A_777 : i32
      %parallel_loop3A_779 = arith.index_cast %parallel_loop3A_778 : i32 to index
      %parallel_loop3A_780 = arith.constant 64 : index
      %parallel_loop3A_781 = tpu.vector_load %arg4[%parallel_loop3A_779, %parallel_loop3A_780] {strides = array<i32>} : memref<512x128xf32, #tpu.memory_space<vmem>>, vector<1x16xf32>,
      %parallel_loop3A_782 = vector.shape_cast %parallel_loop3A_781 : vector<1x16xf32> to vector<16xf32>
      %parallel_loop3A_783 = arith.mulf %parallel_loop3A_782, %parallel_loop3A_782 : vector<16xf32>
      %parallel_loop3A_784 = arith.addf %parallel_loop3A_776, %parallel_loop3A_783 : vector<16xf32>
      %parallel_loop3A_785 = arith.constant 11 : i32
      %parallel_loop3A_786 = arith.addi %parallel_loop3A_52, %parallel_loop3A_785 : i32
      %parallel_loop3A_787 = arith.index_cast %parallel_loop3A_786 : i32 to index
      %parallel_loop3A_788 = arith.constant 80 : index
      %parallel_loop3A_789 = tpu.vector_load %arg4[%parallel_loop3A_787, %parallel_loop3A_788] {strides = array<i32>} : memref<512x128xf32, #tpu.memory_space<vmem>>, vector<1x16xf32>,
      %parallel_loop3A_790 = vector.shape_cast %parallel_loop3A_789 : vector<1x16xf32> to vector<16xf32>
      %parallel_loop3A_791 = arith.mulf %parallel_loop3A_790, %parallel_loop3A_790 : vector<16xf32>
      %parallel_loop3A_792 = arith.addf %parallel_loop3A_784, %parallel_loop3A_791 : vector<16xf32>
      %parallel_loop3A_793 = arith.constant 11 : i32
      %parallel_loop3A_794 = arith.addi %parallel_loop3A_52, %parallel_loop3A_793 : i32
      %parallel_loop3A_795 = arith.index_cast %parallel_loop3A_794 : i32 to index
      %parallel_loop3A_796 = arith.constant 96 : index
      %parallel_loop3A_797 = tpu.vector_load %arg4[%parallel_loop3A_795, %parallel_loop3A_796] {strides = array<i32>} : memref<512x128xf32, #tpu.memory_space<vmem>>, vector<1x16xf32>,
      %parallel_loop3A_798 = vector.shape_cast %parallel_loop3A_797 : vector<1x16xf32> to vector<16xf32>
      %parallel_loop3A_799 = arith.mulf %parallel_loop3A_798, %parallel_loop3A_798 : vector<16xf32>
      %parallel_loop3A_800 = arith.addf %parallel_loop3A_792, %parallel_loop3A_799 : vector<16xf32>
      %parallel_loop3A_801 = arith.constant 11 : i32
      %parallel_loop3A_802 = arith.addi %parallel_loop3A_52, %parallel_loop3A_801 : i32
      %parallel_loop3A_803 = arith.index_cast %parallel_loop3A_802 : i32 to index
      %parallel_loop3A_804 = arith.constant 112 : index
      %parallel_loop3A_805 = tpu.vector_load %arg4[%parallel_loop3A_803, %parallel_loop3A_804] {strides = array<i32>} : memref<512x128xf32, #tpu.memory_space<vmem>>, vector<1x16xf32>,
      %parallel_loop3A_806 = vector.shape_cast %parallel_loop3A_805 : vector<1x16xf32> to vector<16xf32>
      %parallel_loop3A_807 = arith.mulf %parallel_loop3A_806, %parallel_loop3A_806 : vector<16xf32>
      %parallel_loop3A_808 = arith.addf %parallel_loop3A_800, %parallel_loop3A_807 : vector<16xf32>
      %parallel_loop3A_809 = arith.constant 12 : i32
      %parallel_loop3A_810 = arith.addi %parallel_loop3A_52, %parallel_loop3A_809 : i32
      %parallel_loop3A_811 = arith.index_cast %parallel_loop3A_810 : i32 to index
      %parallel_loop3A_812 = arith.constant 0 : index
      %parallel_loop3A_813 = tpu.vector_load %arg4[%parallel_loop3A_811, %parallel_loop3A_812] {strides = array<i32>} : memref<512x128xf32, #tpu.memory_space<vmem>>, vector<1x16xf32>,
      %parallel_loop3A_814 = vector.shape_cast %parallel_loop3A_813 : vector<1x16xf32> to vector<16xf32>
      %parallel_loop3A_815 = arith.mulf %parallel_loop3A_814, %parallel_loop3A_814 : vector<16xf32>
      %parallel_loop3A_816 = arith.constant 12 : i32
      %parallel_loop3A_817 = arith.addi %parallel_loop3A_52, %parallel_loop3A_816 : i32
      %parallel_loop3A_818 = arith.index_cast %parallel_loop3A_817 : i32 to index
      %parallel_loop3A_819 = arith.constant 16 : index
      %parallel_loop3A_820 = tpu.vector_load %arg4[%parallel_loop3A_818, %parallel_loop3A_819] {strides = array<i32>} : memref<512x128xf32, #tpu.memory_space<vmem>>, vector<1x16xf32>,
      %parallel_loop3A_821 = vector.shape_cast %parallel_loop3A_820 : vector<1x16xf32> to vector<16xf32>
      %parallel_loop3A_822 = arith.mulf %parallel_loop3A_821, %parallel_loop3A_821 : vector<16xf32>
      %parallel_loop3A_823 = arith.addf %parallel_loop3A_815, %parallel_loop3A_822 : vector<16xf32>
      %parallel_loop3A_824 = arith.constant 12 : i32
      %parallel_loop3A_825 = arith.addi %parallel_loop3A_52, %parallel_loop3A_824 : i32
      %parallel_loop3A_826 = arith.index_cast %parallel_loop3A_825 : i32 to index
      %parallel_loop3A_827 = arith.constant 32 : index
      %parallel_loop3A_828 = tpu.vector_load %arg4[%parallel_loop3A_826, %parallel_loop3A_827] {strides = array<i32>} : memref<512x128xf32, #tpu.memory_space<vmem>>, vector<1x16xf32>,
      %parallel_loop3A_829 = vector.shape_cast %parallel_loop3A_828 : vector<1x16xf32> to vector<16xf32>
      %parallel_loop3A_830 = arith.mulf %parallel_loop3A_829, %parallel_loop3A_829 : vector<16xf32>
      %parallel_loop3A_831 = arith.addf %parallel_loop3A_823, %parallel_loop3A_830 : vector<16xf32>
      %parallel_loop3A_832 = arith.constant 12 : i32
      %parallel_loop3A_833 = arith.addi %parallel_loop3A_52, %parallel_loop3A_832 : i32
      %parallel_loop3A_834 = arith.index_cast %parallel_loop3A_833 : i32 to index
      %parallel_loop3A_835 = arith.constant 48 : index
      %parallel_loop3A_836 = tpu.vector_load %arg4[%parallel_loop3A_834, %parallel_loop3A_835] {strides = array<i32>} : memref<512x128xf32, #tpu.memory_space<vmem>>, vector<1x16xf32>,
      %parallel_loop3A_837 = vector.shape_cast %parallel_loop3A_836 : vector<1x16xf32> to vector<16xf32>
      %parallel_loop3A_838 = arith.mulf %parallel_loop3A_837, %parallel_loop3A_837 : vector<16xf32>
      %parallel_loop3A_839 = arith.addf %parallel_loop3A_831, %parallel_loop3A_838 : vector<16xf32>
      %parallel_loop3A_840 = arith.constant 12 : i32
      %parallel_loop3A_841 = arith.addi %parallel_loop3A_52, %parallel_loop3A_840 : i32
      %parallel_loop3A_842 = arith.index_cast %parallel_loop3A_841 : i32 to index
      %parallel_loop3A_843 = arith.constant 64 : index
      %parallel_loop3A_844 = tpu.vector_load %arg4[%parallel_loop3A_842, %parallel_loop3A_843] {strides = array<i32>} : memref<512x128xf32, #tpu.memory_space<vmem>>, vector<1x16xf32>,
      %parallel_loop3A_845 = vector.shape_cast %parallel_loop3A_844 : vector<1x16xf32> to vector<16xf32>
      %parallel_loop3A_846 = arith.mulf %parallel_loop3A_845, %parallel_loop3A_845 : vector<16xf32>
      %parallel_loop3A_847 = arith.addf %parallel_loop3A_839, %parallel_loop3A_846 : vector<16xf32>
      %parallel_loop3A_848 = arith.constant 12 : i32
      %parallel_loop3A_849 = arith.addi %parallel_loop3A_52, %parallel_loop3A_848 : i32
      %parallel_loop3A_850 = arith.index_cast %parallel_loop3A_849 : i32 to index
      %parallel_loop3A_851 = arith.constant 80 : index
      %parallel_loop3A_852 = tpu.vector_load %arg4[%parallel_loop3A_850, %parallel_loop3A_851] {strides = array<i32>} : memref<512x128xf32, #tpu.memory_space<vmem>>, vector<1x16xf32>,
      %parallel_loop3A_853 = vector.shape_cast %parallel_loop3A_852 : vector<1x16xf32> to vector<16xf32>
      %parallel_loop3A_854 = arith.mulf %parallel_loop3A_853, %parallel_loop3A_853 : vector<16xf32>
      %parallel_loop3A_855 = arith.addf %parallel_loop3A_847, %parallel_loop3A_854 : vector<16xf32>
      %parallel_loop3A_856 = arith.constant 12 : i32
      %parallel_loop3A_857 = arith.addi %parallel_loop3A_52, %parallel_loop3A_856 : i32
      %parallel_loop3A_858 = arith.index_cast %parallel_loop3A_857 : i32 to index
      %parallel_loop3A_859 = arith.constant 96 : index
      %parallel_loop3A_860 = tpu.vector_load %arg4[%parallel_loop3A_858, %parallel_loop3A_859] {strides = array<i32>} : memref<512x128xf32, #tpu.memory_space<vmem>>, vector<1x16xf32>,
      %parallel_loop3A_861 = vector.shape_cast %parallel_loop3A_860 : vector<1x16xf32> to vector<16xf32>
      %parallel_loop3A_862 = arith.mulf %parallel_loop3A_861, %parallel_loop3A_861 : vector<16xf32>
      %parallel_loop3A_863 = arith.addf %parallel_loop3A_855, %parallel_loop3A_862 : vector<16xf32>
      %parallel_loop3A_864 = arith.constant 12 : i32
      %parallel_loop3A_865 = arith.addi %parallel_loop3A_52, %parallel_loop3A_864 : i32
      %parallel_loop3A_866 = arith.index_cast %parallel_loop3A_865 : i32 to index
      %parallel_loop3A_867 = arith.constant 112 : index
      %parallel_loop3A_868 = tpu.vector_load %arg4[%parallel_loop3A_866, %parallel_loop3A_867] {strides = array<i32>} : memref<512x128xf32, #tpu.memory_space<vmem>>, vector<1x16xf32>,
      %parallel_loop3A_869 = vector.shape_cast %parallel_loop3A_868 : vector<1x16xf32> to vector<16xf32>
      %parallel_loop3A_870 = arith.mulf %parallel_loop3A_869, %parallel_loop3A_869 : vector<16xf32>
      %parallel_loop3A_871 = arith.addf %parallel_loop3A_863, %parallel_loop3A_870 : vector<16xf32>
      %parallel_loop3A_872 = arith.constant 13 : i32
      %parallel_loop3A_873 = arith.addi %parallel_loop3A_52, %parallel_loop3A_872 : i32
      %parallel_loop3A_874 = arith.index_cast %parallel_loop3A_873 : i32 to index
      %parallel_loop3A_875 = arith.constant 0 : index
      %parallel_loop3A_876 = tpu.vector_load %arg4[%parallel_loop3A_874, %parallel_loop3A_875] {strides = array<i32>} : memref<512x128xf32, #tpu.memory_space<vmem>>, vector<1x16xf32>,
      %parallel_loop3A_877 = vector.shape_cast %parallel_loop3A_876 : vector<1x16xf32> to vector<16xf32>
      %parallel_loop3A_878 = arith.mulf %parallel_loop3A_877, %parallel_loop3A_877 : vector<16xf32>
      %parallel_loop3A_879 = arith.constant 13 : i32
      %parallel_loop3A_880 = arith.addi %parallel_loop3A_52, %parallel_loop3A_879 : i32
      %parallel_loop3A_881 = arith.index_cast %parallel_loop3A_880 : i32 to index
      %parallel_loop3A_882 = arith.constant 16 : index
      %parallel_loop3A_883 = tpu.vector_load %arg4[%parallel_loop3A_881, %parallel_loop3A_882] {strides = array<i32>} : memref<512x128xf32, #tpu.memory_space<vmem>>, vector<1x16xf32>,
      %parallel_loop3A_884 = vector.shape_cast %parallel_loop3A_883 : vector<1x16xf32> to vector<16xf32>
      %parallel_loop3A_885 = arith.mulf %parallel_loop3A_884, %parallel_loop3A_884 : vector<16xf32>
      %parallel_loop3A_886 = arith.addf %parallel_loop3A_878, %parallel_loop3A_885 : vector<16xf32>
      %parallel_loop3A_887 = arith.constant 13 : i32
      %parallel_loop3A_888 = arith.addi %parallel_loop3A_52, %parallel_loop3A_887 : i32
      %parallel_loop3A_889 = arith.index_cast %parallel_loop3A_888 : i32 to index
      %parallel_loop3A_890 = arith.constant 32 : index
      %parallel_loop3A_891 = tpu.vector_load %arg4[%parallel_loop3A_889, %parallel_loop3A_890] {strides = array<i32>} : memref<512x128xf32, #tpu.memory_space<vmem>>, vector<1x16xf32>,
      %parallel_loop3A_892 = vector.shape_cast %parallel_loop3A_891 : vector<1x16xf32> to vector<16xf32>
      %parallel_loop3A_893 = arith.mulf %parallel_loop3A_892, %parallel_loop3A_892 : vector<16xf32>
      %parallel_loop3A_894 = arith.addf %parallel_loop3A_886, %parallel_loop3A_893 : vector<16xf32>
      %parallel_loop3A_895 = arith.constant 13 : i32
      %parallel_loop3A_896 = arith.addi %parallel_loop3A_52, %parallel_loop3A_895 : i32
      %parallel_loop3A_897 = arith.index_cast %parallel_loop3A_896 : i32 to index
      %parallel_loop3A_898 = arith.constant 48 : index
      %parallel_loop3A_899 = tpu.vector_load %arg4[%parallel_loop3A_897, %parallel_loop3A_898] {strides = array<i32>} : memref<512x128xf32, #tpu.memory_space<vmem>>, vector<1x16xf32>,
      %parallel_loop3A_900 = vector.shape_cast %parallel_loop3A_899 : vector<1x16xf32> to vector<16xf32>
      %parallel_loop3A_901 = arith.mulf %parallel_loop3A_900, %parallel_loop3A_900 : vector<16xf32>
      %parallel_loop3A_902 = arith.addf %parallel_loop3A_894, %parallel_loop3A_901 : vector<16xf32>
      %parallel_loop3A_903 = arith.constant 13 : i32
      %parallel_loop3A_904 = arith.addi %parallel_loop3A_52, %parallel_loop3A_903 : i32
      %parallel_loop3A_905 = arith.index_cast %parallel_loop3A_904 : i32 to index
      %parallel_loop3A_906 = arith.constant 64 : index
      %parallel_loop3A_907 = tpu.vector_load %arg4[%parallel_loop3A_905, %parallel_loop3A_906] {strides = array<i32>} : memref<512x128xf32, #tpu.memory_space<vmem>>, vector<1x16xf32>,
      %parallel_loop3A_908 = vector.shape_cast %parallel_loop3A_907 : vector<1x16xf32> to vector<16xf32>
      %parallel_loop3A_909 = arith.mulf %parallel_loop3A_908, %parallel_loop3A_908 : vector<16xf32>
      %parallel_loop3A_910 = arith.addf %parallel_loop3A_902, %parallel_loop3A_909 : vector<16xf32>
      %parallel_loop3A_911 = arith.constant 13 : i32
      %parallel_loop3A_912 = arith.addi %parallel_loop3A_52, %parallel_loop3A_911 : i32
      %parallel_loop3A_913 = arith.index_cast %parallel_loop3A_912 : i32 to index
      %parallel_loop3A_914 = arith.constant 80 : index
      %parallel_loop3A_915 = tpu.vector_load %arg4[%parallel_loop3A_913, %parallel_loop3A_914] {strides = array<i32>} : memref<512x128xf32, #tpu.memory_space<vmem>>, vector<1x16xf32>,
      %parallel_loop3A_916 = vector.shape_cast %parallel_loop3A_915 : vector<1x16xf32> to vector<16xf32>
      %parallel_loop3A_917 = arith.mulf %parallel_loop3A_916, %parallel_loop3A_916 : vector<16xf32>
      %parallel_loop3A_918 = arith.addf %parallel_loop3A_910, %parallel_loop3A_917 : vector<16xf32>
      %parallel_loop3A_919 = arith.constant 13 : i32
      %parallel_loop3A_920 = arith.addi %parallel_loop3A_52, %parallel_loop3A_919 : i32
      %parallel_loop3A_921 = arith.index_cast %parallel_loop3A_920 : i32 to index
      %parallel_loop3A_922 = arith.constant 96 : index
      %parallel_loop3A_923 = tpu.vector_load %arg4[%parallel_loop3A_921, %parallel_loop3A_922] {strides = array<i32>} : memref<512x128xf32, #tpu.memory_space<vmem>>, vector<1x16xf32>,
      %parallel_loop3A_924 = vector.shape_cast %parallel_loop3A_923 : vector<1x16xf32> to vector<16xf32>
      %parallel_loop3A_925 = arith.mulf %parallel_loop3A_924, %parallel_loop3A_924 : vector<16xf32>
      %parallel_loop3A_926 = arith.addf %parallel_loop3A_918, %parallel_loop3A_925 : vector<16xf32>
      %parallel_loop3A_927 = arith.constant 13 : i32
      %parallel_loop3A_928 = arith.addi %parallel_loop3A_52, %parallel_loop3A_927 : i32
      %parallel_loop3A_929 = arith.index_cast %parallel_loop3A_928 : i32 to index
      %parallel_loop3A_930 = arith.constant 112 : index
      %parallel_loop3A_931 = tpu.vector_load %arg4[%parallel_loop3A_929, %parallel_loop3A_930] {strides = array<i32>} : memref<512x128xf32, #tpu.memory_space<vmem>>, vector<1x16xf32>,
      %parallel_loop3A_932 = vector.shape_cast %parallel_loop3A_931 : vector<1x16xf32> to vector<16xf32>
      %parallel_loop3A_933 = arith.mulf %parallel_loop3A_932, %parallel_loop3A_932 : vector<16xf32>
      %parallel_loop3A_934 = arith.addf %parallel_loop3A_926, %parallel_loop3A_933 : vector<16xf32>
      %parallel_loop3A_935 = arith.constant 14 : i32
      %parallel_loop3A_936 = arith.addi %parallel_loop3A_52, %parallel_loop3A_935 : i32
      %parallel_loop3A_937 = arith.index_cast %parallel_loop3A_936 : i32 to index
      %parallel_loop3A_938 = arith.constant 0 : index
      %parallel_loop3A_939 = tpu.vector_load %arg4[%parallel_loop3A_937, %parallel_loop3A_938] {strides = array<i32>} : memref<512x128xf32, #tpu.memory_space<vmem>>, vector<1x16xf32>,
      %parallel_loop3A_940 = vector.shape_cast %parallel_loop3A_939 : vector<1x16xf32> to vector<16xf32>
      %parallel_loop3A_941 = arith.mulf %parallel_loop3A_940, %parallel_loop3A_940 : vector<16xf32>
      %parallel_loop3A_942 = arith.constant 14 : i32
      %parallel_loop3A_943 = arith.addi %parallel_loop3A_52, %parallel_loop3A_942 : i32
      %parallel_loop3A_944 = arith.index_cast %parallel_loop3A_943 : i32 to index
      %parallel_loop3A_945 = arith.constant 16 : index
      %parallel_loop3A_946 = tpu.vector_load %arg4[%parallel_loop3A_944, %parallel_loop3A_945] {strides = array<i32>} : memref<512x128xf32, #tpu.memory_space<vmem>>, vector<1x16xf32>,
      %parallel_loop3A_947 = vector.shape_cast %parallel_loop3A_946 : vector<1x16xf32> to vector<16xf32>
      %parallel_loop3A_948 = arith.mulf %parallel_loop3A_947, %parallel_loop3A_947 : vector<16xf32>
      %parallel_loop3A_949 = arith.addf %parallel_loop3A_941, %parallel_loop3A_948 : vector<16xf32>
      %parallel_loop3A_950 = arith.constant 14 : i32
      %parallel_loop3A_951 = arith.addi %parallel_loop3A_52, %parallel_loop3A_950 : i32
      %parallel_loop3A_952 = arith.index_cast %parallel_loop3A_951 : i32 to index
      %parallel_loop3A_953 = arith.constant 32 : index
      %parallel_loop3A_954 = tpu.vector_load %arg4[%parallel_loop3A_952, %parallel_loop3A_953] {strides = array<i32>} : memref<512x128xf32, #tpu.memory_space<vmem>>, vector<1x16xf32>,
      %parallel_loop3A_955 = vector.shape_cast %parallel_loop3A_954 : vector<1x16xf32> to vector<16xf32>
      %parallel_loop3A_956 = arith.mulf %parallel_loop3A_955, %parallel_loop3A_955 : vector<16xf32>
      %parallel_loop3A_957 = arith.addf %parallel_loop3A_949, %parallel_loop3A_956 : vector<16xf32>
      %parallel_loop3A_958 = arith.constant 14 : i32
      %parallel_loop3A_959 = arith.addi %parallel_loop3A_52, %parallel_loop3A_958 : i32
      %parallel_loop3A_960 = arith.index_cast %parallel_loop3A_959 : i32 to index
      %parallel_loop3A_961 = arith.constant 48 : index
      %parallel_loop3A_962 = tpu.vector_load %arg4[%parallel_loop3A_960, %parallel_loop3A_961] {strides = array<i32>} : memref<512x128xf32, #tpu.memory_space<vmem>>, vector<1x16xf32>,
      %parallel_loop3A_963 = vector.shape_cast %parallel_loop3A_962 : vector<1x16xf32> to vector<16xf32>
      %parallel_loop3A_964 = arith.mulf %parallel_loop3A_963, %parallel_loop3A_963 : vector<16xf32>
      %parallel_loop3A_965 = arith.addf %parallel_loop3A_957, %parallel_loop3A_964 : vector<16xf32>
      %parallel_loop3A_966 = arith.constant 14 : i32
      %parallel_loop3A_967 = arith.addi %parallel_loop3A_52, %parallel_loop3A_966 : i32
      %parallel_loop3A_968 = arith.index_cast %parallel_loop3A_967 : i32 to index
      %parallel_loop3A_969 = arith.constant 64 : index
      %parallel_loop3A_970 = tpu.vector_load %arg4[%parallel_loop3A_968, %parallel_loop3A_969] {strides = array<i32>} : memref<512x128xf32, #tpu.memory_space<vmem>>, vector<1x16xf32>,
      %parallel_loop3A_971 = vector.shape_cast %parallel_loop3A_970 : vector<1x16xf32> to vector<16xf32>
      %parallel_loop3A_972 = arith.mulf %parallel_loop3A_971, %parallel_loop3A_971 : vector<16xf32>
      %parallel_loop3A_973 = arith.addf %parallel_loop3A_965, %parallel_loop3A_972 : vector<16xf32>
      %parallel_loop3A_974 = arith.constant 14 : i32
      %parallel_loop3A_975 = arith.addi %parallel_loop3A_52, %parallel_loop3A_974 : i32
      %parallel_loop3A_976 = arith.index_cast %parallel_loop3A_975 : i32 to index
      %parallel_loop3A_977 = arith.constant 80 : index
      %parallel_loop3A_978 = tpu.vector_load %arg4[%parallel_loop3A_976, %parallel_loop3A_977] {strides = array<i32>} : memref<512x128xf32, #tpu.memory_space<vmem>>, vector<1x16xf32>,
      %parallel_loop3A_979 = vector.shape_cast %parallel_loop3A_978 : vector<1x16xf32> to vector<16xf32>
      %parallel_loop3A_980 = arith.mulf %parallel_loop3A_979, %parallel_loop3A_979 : vector<16xf32>
      %parallel_loop3A_981 = arith.addf %parallel_loop3A_973, %parallel_loop3A_980 : vector<16xf32>
      %parallel_loop3A_982 = arith.constant 14 : i32
      %parallel_loop3A_983 = arith.addi %parallel_loop3A_52, %parallel_loop3A_982 : i32
      %parallel_loop3A_984 = arith.index_cast %parallel_loop3A_983 : i32 to index
      %parallel_loop3A_985 = arith.constant 96 : index
      %parallel_loop3A_986 = tpu.vector_load %arg4[%parallel_loop3A_984, %parallel_loop3A_985] {strides = array<i32>} : memref<512x128xf32, #tpu.memory_space<vmem>>, vector<1x16xf32>,
      %parallel_loop3A_987 = vector.shape_cast %parallel_loop3A_986 : vector<1x16xf32> to vector<16xf32>
      %parallel_loop3A_988 = arith.mulf %parallel_loop3A_987, %parallel_loop3A_987 : vector<16xf32>
      %parallel_loop3A_989 = arith.addf %parallel_loop3A_981, %parallel_loop3A_988 : vector<16xf32>
      %parallel_loop3A_990 = arith.constant 14 : i32
      %parallel_loop3A_991 = arith.addi %parallel_loop3A_52, %parallel_loop3A_990 : i32
      %parallel_loop3A_992 = arith.index_cast %parallel_loop3A_991 : i32 to index
      %parallel_loop3A_993 = arith.constant 112 : index
      %parallel_loop3A_994 = tpu.vector_load %arg4[%parallel_loop3A_992, %parallel_loop3A_993] {strides = array<i32>} : memref<512x128xf32, #tpu.memory_space<vmem>>, vector<1x16xf32>,
      %parallel_loop3A_995 = vector.shape_cast %parallel_loop3A_994 : vector<1x16xf32> to vector<16xf32>
      %parallel_loop3A_996 = arith.mulf %parallel_loop3A_995, %parallel_loop3A_995 : vector<16xf32>
      %parallel_loop3A_997 = arith.addf %parallel_loop3A_989, %parallel_loop3A_996 : vector<16xf32>
      %parallel_loop3A_998 = arith.constant 15 : i32
      %parallel_loop3A_999 = arith.addi %parallel_loop3A_52, %parallel_loop3A_998 : i32
      %parallel_loop3A_1000 = arith.index_cast %parallel_loop3A_999 : i32 to index
      %parallel_loop3A_1001 = arith.constant 0 : index
      %parallel_loop3A_1002 = tpu.vector_load %arg4[%parallel_loop3A_1000, %parallel_loop3A_1001] {strides = array<i32>} : memref<512x128xf32, #tpu.memory_space<vmem>>, vector<1x16xf32>,
      %parallel_loop3A_1003 = vector.shape_cast %parallel_loop3A_1002 : vector<1x16xf32> to vector<16xf32>
      %parallel_loop3A_1004 = arith.mulf %parallel_loop3A_1003, %parallel_loop3A_1003 : vector<16xf32>
      %parallel_loop3A_1005 = arith.constant 15 : i32
      %parallel_loop3A_1006 = arith.addi %parallel_loop3A_52, %parallel_loop3A_1005 : i32
      %parallel_loop3A_1007 = arith.index_cast %parallel_loop3A_1006 : i32 to index
      %parallel_loop3A_1008 = arith.constant 16 : index
      %parallel_loop3A_1009 = tpu.vector_load %arg4[%parallel_loop3A_1007, %parallel_loop3A_1008] {strides = array<i32>} : memref<512x128xf32, #tpu.memory_space<vmem>>, vector<1x16xf32>,
      %parallel_loop3A_1010 = vector.shape_cast %parallel_loop3A_1009 : vector<1x16xf32> to vector<16xf32>
      %parallel_loop3A_1011 = arith.mulf %parallel_loop3A_1010, %parallel_loop3A_1010 : vector<16xf32>
      %parallel_loop3A_1012 = arith.addf %parallel_loop3A_1004, %parallel_loop3A_1011 : vector<16xf32>
      %parallel_loop3A_1013 = arith.constant 15 : i32
      %parallel_loop3A_1014 = arith.addi %parallel_loop3A_52, %parallel_loop3A_1013 : i32
      %parallel_loop3A_1015 = arith.index_cast %parallel_loop3A_1014 : i32 to index
      %parallel_loop3A_1016 = arith.constant 32 : index
      %parallel_loop3A_1017 = tpu.vector_load %arg4[%parallel_loop3A_1015, %parallel_loop3A_1016] {strides = array<i32>} : memref<512x128xf32, #tpu.memory_space<vmem>>, vector<1x16xf32>,
      %parallel_loop3A_1018 = vector.shape_cast %parallel_loop3A_1017 : vector<1x16xf32> to vector<16xf32>
      %parallel_loop3A_1019 = arith.mulf %parallel_loop3A_1018, %parallel_loop3A_1018 : vector<16xf32>
      %parallel_loop3A_1020 = arith.addf %parallel_loop3A_1012, %parallel_loop3A_1019 : vector<16xf32>
      %parallel_loop3A_1021 = arith.constant 15 : i32
      %parallel_loop3A_1022 = arith.addi %parallel_loop3A_52, %parallel_loop3A_1021 : i32
      %parallel_loop3A_1023 = arith.index_cast %parallel_loop3A_1022 : i32 to index
      %parallel_loop3A_1024 = arith.constant 48 : index
      %parallel_loop3A_1025 = tpu.vector_load %arg4[%parallel_loop3A_1023, %parallel_loop3A_1024] {strides = array<i32>} : memref<512x128xf32, #tpu.memory_space<vmem>>, vector<1x16xf32>,
      %parallel_loop3A_1026 = vector.shape_cast %parallel_loop3A_1025 : vector<1x16xf32> to vector<16xf32>
      %parallel_loop3A_1027 = arith.mulf %parallel_loop3A_1026, %parallel_loop3A_1026 : vector<16xf32>
      %parallel_loop3A_1028 = arith.addf %parallel_loop3A_1020, %parallel_loop3A_1027 : vector<16xf32>
      %parallel_loop3A_1029 = arith.constant 15 : i32
      %parallel_loop3A_1030 = arith.addi %parallel_loop3A_52, %parallel_loop3A_1029 : i32
      %parallel_loop3A_1031 = arith.index_cast %parallel_loop3A_1030 : i32 to index
      %parallel_loop3A_1032 = arith.constant 64 : index
      %parallel_loop3A_1033 = tpu.vector_load %arg4[%parallel_loop3A_1031, %parallel_loop3A_1032] {strides = array<i32>} : memref<512x128xf32, #tpu.memory_space<vmem>>, vector<1x16xf32>,
      %parallel_loop3A_1034 = vector.shape_cast %parallel_loop3A_1033 : vector<1x16xf32> to vector<16xf32>
      %parallel_loop3A_1035 = arith.mulf %parallel_loop3A_1034, %parallel_loop3A_1034 : vector<16xf32>
      %parallel_loop3A_1036 = arith.addf %parallel_loop3A_1028, %parallel_loop3A_1035 : vector<16xf32>
      %parallel_loop3A_1037 = arith.constant 15 : i32
      %parallel_loop3A_1038 = arith.addi %parallel_loop3A_52, %parallel_loop3A_1037 : i32
      %parallel_loop3A_1039 = arith.index_cast %parallel_loop3A_1038 : i32 to index
      %parallel_loop3A_1040 = arith.constant 80 : index
      %parallel_loop3A_1041 = tpu.vector_load %arg4[%parallel_loop3A_1039, %parallel_loop3A_1040] {strides = array<i32>} : memref<512x128xf32, #tpu.memory_space<vmem>>, vector<1x16xf32>,
      %parallel_loop3A_1042 = vector.shape_cast %parallel_loop3A_1041 : vector<1x16xf32> to vector<16xf32>
      %parallel_loop3A_1043 = arith.mulf %parallel_loop3A_1042, %parallel_loop3A_1042 : vector<16xf32>
      %parallel_loop3A_1044 = arith.addf %parallel_loop3A_1036, %parallel_loop3A_1043 : vector<16xf32>
      %parallel_loop3A_1045 = arith.constant 15 : i32
      %parallel_loop3A_1046 = arith.addi %parallel_loop3A_52, %parallel_loop3A_1045 : i32
      %parallel_loop3A_1047 = arith.index_cast %parallel_loop3A_1046 : i32 to index
      %parallel_loop3A_1048 = arith.constant 96 : index
      %parallel_loop3A_1049 = tpu.vector_load %arg4[%parallel_loop3A_1047, %parallel_loop3A_1048] {strides = array<i32>} : memref<512x128xf32, #tpu.memory_space<vmem>>, vector<1x16xf32>,
      %parallel_loop3A_1050 = vector.shape_cast %parallel_loop3A_1049 : vector<1x16xf32> to vector<16xf32>
      %parallel_loop3A_1051 = arith.mulf %parallel_loop3A_1050, %parallel_loop3A_1050 : vector<16xf32>
      %parallel_loop3A_1052 = arith.addf %parallel_loop3A_1044, %parallel_loop3A_1051 : vector<16xf32>
      %parallel_loop3A_1053 = arith.constant 15 : i32
      %parallel_loop3A_1054 = arith.addi %parallel_loop3A_52, %parallel_loop3A_1053 : i32
      %parallel_loop3A_1055 = arith.index_cast %parallel_loop3A_1054 : i32 to index
      %parallel_loop3A_1056 = arith.constant 112 : index
      %parallel_loop3A_1057 = tpu.vector_load %arg4[%parallel_loop3A_1055, %parallel_loop3A_1056] {strides = array<i32>} : memref<512x128xf32, #tpu.memory_space<vmem>>, vector<1x16xf32>,
      %parallel_loop3A_1058 = vector.shape_cast %parallel_loop3A_1057 : vector<1x16xf32> to vector<16xf32>
      %parallel_loop3A_1059 = arith.mulf %parallel_loop3A_1058, %parallel_loop3A_1058 : vector<16xf32>
      %parallel_loop3A_1060 = arith.addf %parallel_loop3A_1052, %parallel_loop3A_1059 : vector<16xf32>
      %parallel_loop3A_1061 = vector.shape_cast %and3A_7 : vector<16xi32> to vector<16x1xi32>
      %parallel_loop3A_1062 = vector.shape_cast %parallel_loop3A_1061 : vector<16x1xi32> to vector<16xi32>
      %parallel_loop3A_1063 = tpu.dynamic_gather %parallel_loop3A_115[%parallel_loop3A_1062] in [0] : vector<16xf32>, vector<16xi32> -> vector<16xf32>
      %parallel_loop3A_1064 = arith.addf %parallel_loop3A_115, %parallel_loop3A_1063 : vector<16xf32>
      %parallel_loop3A_1065 = vector.shape_cast %and3A_7 : vector<16xi32> to vector<16x1xi32>
      %parallel_loop3A_1066 = vector.shape_cast %parallel_loop3A_1065 : vector<16x1xi32> to vector<16xi32>
      %parallel_loop3A_1067 = tpu.dynamic_gather %parallel_loop3A_619[%parallel_loop3A_1066] in [0] : vector<16xf32>, vector<16xi32> -> vector<16xf32>
      %parallel_loop3A_1068 = arith.addf %parallel_loop3A_619, %parallel_loop3A_1067 : vector<16xf32>
      %parallel_loop3A_1069 = arith.select %lt3A_30, %parallel_loop3A_1064, %parallel_loop3A_1068 : vector<16xi1>, vector<16xf32>
      %parallel_loop3A_1070 = vector.shape_cast %and3A_7 : vector<16xi32> to vector<16x1xi32>
      %parallel_loop3A_1071 = vector.shape_cast %parallel_loop3A_1070 : vector<16x1xi32> to vector<16xi32>
      %parallel_loop3A_1072 = tpu.dynamic_gather %parallel_loop3A_178[%parallel_loop3A_1071] in [0] : vector<16xf32>, vector<16xi32> -> vector<16xf32>
      %parallel_loop3A_1073 = arith.addf %parallel_loop3A_178, %parallel_loop3A_1072 : vector<16xf32>
      %parallel_loop3A_1074 = vector.shape_cast %and3A_7 : vector<16xi32> to vector<16x1xi32>
      %parallel_loop3A_1075 = vector.shape_cast %parallel_loop3A_1074 : vector<16x1xi32> to vector<16xi32>
      %parallel_loop3A_1076 = tpu.dynamic_gather %parallel_loop3A_682[%parallel_loop3A_1075] in [0] : vector<16xf32>, vector<16xi32> -> vector<16xf32>
      %parallel_loop3A_1077 = arith.addf %parallel_loop3A_682, %parallel_loop3A_1076 : vector<16xf32>
      %parallel_loop3A_1078 = arith.select %lt3A_30, %parallel_loop3A_1073, %parallel_loop3A_1077 : vector<16xi1>, vector<16xf32>
      %parallel_loop3A_1079 = vector.shape_cast %and3A_7 : vector<16xi32> to vector<16x1xi32>
      %parallel_loop3A_1080 = vector.shape_cast %parallel_loop3A_1079 : vector<16x1xi32> to vector<16xi32>
      %parallel_loop3A_1081 = tpu.dynamic_gather %parallel_loop3A_241[%parallel_loop3A_1080] in [0] : vector<16xf32>, vector<16xi32> -> vector<16xf32>
      %parallel_loop3A_1082 = arith.addf %parallel_loop3A_241, %parallel_loop3A_1081 : vector<16xf32>
      %parallel_loop3A_1083 = vector.shape_cast %and3A_7 : vector<16xi32> to vector<16x1xi32>
      %parallel_loop3A_1084 = vector.shape_cast %parallel_loop3A_1083 : vector<16x1xi32> to vector<16xi32>
      %parallel_loop3A_1085 = tpu.dynamic_gather %parallel_loop3A_745[%parallel_loop3A_1084] in [0] : vector<16xf32>, vector<16xi32> -> vector<16xf32>
      %parallel_loop3A_1086 = arith.addf %parallel_loop3A_745, %parallel_loop3A_1085 : vector<16xf32>
      %parallel_loop3A_1087 = arith.select %lt3A_30, %parallel_loop3A_1082, %parallel_loop3A_1086 : vector<16xi1>, vector<16xf32>
      %parallel_loop3A_1088 = vector.shape_cast %and3A_7 : vector<16xi32> to vector<16x1xi32>
      %parallel_loop3A_1089 = vector.shape_cast %parallel_loop3A_1088 : vector<16x1xi32> to vector<16xi32>
      %parallel_loop3A_1090 = tpu.dynamic_gather %parallel_loop3A_304[%parallel_loop3A_1089] in [0] : vector<16xf32>, vector<16xi32> -> vector<16xf32>
      %parallel_loop3A_1091 = arith.addf %parallel_loop3A_304, %parallel_loop3A_1090 : vector<16xf32>
      %parallel_loop3A_1092 = vector.shape_cast %and3A_7 : vector<16xi32> to vector<16x1xi32>
      %parallel_loop3A_1093 = vector.shape_cast %parallel_loop3A_1092 : vector<16x1xi32> to vector<16xi32>
      %parallel_loop3A_1094 = tpu.dynamic_gather %parallel_loop3A_808[%parallel_loop3A_1093] in [0] : vector<16xf32>, vector<16xi32> -> vector<16xf32>
      %parallel_loop3A_1095 = arith.addf %parallel_loop3A_808, %parallel_loop3A_1094 : vector<16xf32>
      %parallel_loop3A_1096 = arith.select %lt3A_30, %parallel_loop3A_1091, %parallel_loop3A_1095 : vector<16xi1>, vector<16xf32>
      %parallel_loop3A_1097 = vector.shape_cast %and3A_7 : vector<16xi32> to vector<16x1xi32>
      %parallel_loop3A_1098 = vector.shape_cast %parallel_loop3A_1097 : vector<16x1xi32> to vector<16xi32>
      %parallel_loop3A_1099 = tpu.dynamic_gather %parallel_loop3A_367[%parallel_loop3A_1098] in [0] : vector<16xf32>, vector<16xi32> -> vector<16xf32>
      %parallel_loop3A_1100 = arith.addf %parallel_loop3A_367, %parallel_loop3A_1099 : vector<16xf32>
      %parallel_loop3A_1101 = vector.shape_cast %and3A_7 : vector<16xi32> to vector<16x1xi32>
      %parallel_loop3A_1102 = vector.shape_cast %parallel_loop3A_1101 : vector<16x1xi32> to vector<16xi32>
      %parallel_loop3A_1103 = tpu.dynamic_gather %parallel_loop3A_871[%parallel_loop3A_1102] in [0] : vector<16xf32>, vector<16xi32> -> vector<16xf32>
      %parallel_loop3A_1104 = arith.addf %parallel_loop3A_871, %parallel_loop3A_1103 : vector<16xf32>
      %parallel_loop3A_1105 = arith.select %lt3A_30, %parallel_loop3A_1100, %parallel_loop3A_1104 : vector<16xi1>, vector<16xf32>
      %parallel_loop3A_1106 = vector.shape_cast %and3A_7 : vector<16xi32> to vector<16x1xi32>
      %parallel_loop3A_1107 = vector.shape_cast %parallel_loop3A_1106 : vector<16x1xi32> to vector<16xi32>
      %parallel_loop3A_1108 = tpu.dynamic_gather %parallel_loop3A_430[%parallel_loop3A_1107] in [0] : vector<16xf32>, vector<16xi32> -> vector<16xf32>
      %parallel_loop3A_1109 = arith.addf %parallel_loop3A_430, %parallel_loop3A_1108 : vector<16xf32>
      %parallel_loop3A_1110 = vector.shape_cast %and3A_7 : vector<16xi32> to vector<16x1xi32>
      %parallel_loop3A_1111 = vector.shape_cast %parallel_loop3A_1110 : vector<16x1xi32> to vector<16xi32>
      %parallel_loop3A_1112 = tpu.dynamic_gather %parallel_loop3A_934[%parallel_loop3A_1111] in [0] : vector<16xf32>, vector<16xi32> -> vector<16xf32>
      %parallel_loop3A_1113 = arith.addf %parallel_loop3A_934, %parallel_loop3A_1112 : vector<16xf32>
      %parallel_loop3A_1114 = arith.select %lt3A_30, %parallel_loop3A_1109, %parallel_loop3A_1113 : vector<16xi1>, vector<16xf32>
      %parallel_loop3A_1115 = vector.shape_cast %and3A_7 : vector<16xi32> to vector<16x1xi32>
      %parallel_loop3A_1116 = vector.shape_cast %parallel_loop3A_1115 : vector<16x1xi32> to vector<16xi32>
      %parallel_loop3A_1117 = tpu.dynamic_gather %parallel_loop3A_493[%parallel_loop3A_1116] in [0] : vector<16xf32>, vector<16xi32> -> vector<16xf32>
      %parallel_loop3A_1118 = arith.addf %parallel_loop3A_493, %parallel_loop3A_1117 : vector<16xf32>
      %parallel_loop3A_1119 = vector.shape_cast %and3A_7 : vector<16xi32> to vector<16x1xi32>
      %parallel_loop3A_1120 = vector.shape_cast %parallel_loop3A_1119 : vector<16x1xi32> to vector<16xi32>
      %parallel_loop3A_1121 = tpu.dynamic_gather %parallel_loop3A_997[%parallel_loop3A_1120] in [0] : vector<16xf32>, vector<16xi32> -> vector<16xf32>
      %parallel_loop3A_1122 = arith.addf %parallel_loop3A_997, %parallel_loop3A_1121 : vector<16xf32>
      %parallel_loop3A_1123 = arith.select %lt3A_30, %parallel_loop3A_1118, %parallel_loop3A_1122 : vector<16xi1>, vector<16xf32>
      %parallel_loop3A_1124 = vector.shape_cast %and3A_7 : vector<16xi32> to vector<16x1xi32>
      %parallel_loop3A_1125 = vector.shape_cast %parallel_loop3A_1124 : vector<16x1xi32> to vector<16xi32>
      %parallel_loop3A_1126 = tpu.dynamic_gather %parallel_loop3A_556[%parallel_loop3A_1125] in [0] : vector<16xf32>, vector<16xi32> -> vector<16xf32>
      %parallel_loop3A_1127 = arith.addf %parallel_loop3A_556, %parallel_loop3A_1126 : vector<16xf32>
      %parallel_loop3A_1128 = vector.shape_cast %and3A_7 : vector<16xi32> to vector<16x1xi32>
      %parallel_loop3A_1129 = vector.shape_cast %parallel_loop3A_1128 : vector<16x1xi32> to vector<16xi32>
      %parallel_loop3A_1130 = tpu.dynamic_gather %parallel_loop3A_1060[%parallel_loop3A_1129] in [0] : vector<16xf32>, vector<16xi32> -> vector<16xf32>
      %parallel_loop3A_1131 = arith.addf %parallel_loop3A_1060, %parallel_loop3A_1130 : vector<16xf32>
      %parallel_loop3A_1132 = arith.select %lt3A_30, %parallel_loop3A_1127, %parallel_loop3A_1131 : vector<16xi1>, vector<16xf32>
      %parallel_loop3A_1133 = vector.shape_cast %or3A : vector<16xi32> to vector<16x1xi32>
      %parallel_loop3A_1134 = vector.shape_cast %parallel_loop3A_1133 : vector<16x1xi32> to vector<16xi32>
      %parallel_loop3A_1135 = tpu.dynamic_gather %parallel_loop3A_1069[%parallel_loop3A_1134] in [0] : vector<16xf32>, vector<16xi32> -> vector<16xf32>
      %parallel_loop3A_1136 = arith.addf %parallel_loop3A_1069, %parallel_loop3A_1135 : vector<16xf32>
      %parallel_loop3A_1137 = vector.shape_cast %or3A : vector<16xi32> to vector<16x1xi32>
      %parallel_loop3A_1138 = vector.shape_cast %parallel_loop3A_1137 : vector<16x1xi32> to vector<16xi32>
      %parallel_loop3A_1139 = tpu.dynamic_gather %parallel_loop3A_1105[%parallel_loop3A_1138] in [0] : vector<16xf32>, vector<16xi32> -> vector<16xf32>
      %parallel_loop3A_1140 = arith.addf %parallel_loop3A_1105, %parallel_loop3A_1139 : vector<16xf32>
      %parallel_loop3A_1141 = arith.select %eq3A_35, %parallel_loop3A_1136, %parallel_loop3A_1140 : vector<16xi1>, vector<16xf32>
      %parallel_loop3A_1142 = vector.shape_cast %or3A : vector<16xi32> to vector<16x1xi32>
      %parallel_loop3A_1143 = vector.shape_cast %parallel_loop3A_1142 : vector<16x1xi32> to vector<16xi32>
      %parallel_loop3A_1144 = tpu.dynamic_gather %parallel_loop3A_1078[%parallel_loop3A_1143] in [0] : vector<16xf32>, vector<16xi32> -> vector<16xf32>
      %parallel_loop3A_1145 = arith.addf %parallel_loop3A_1078, %parallel_loop3A_1144 : vector<16xf32>
      %parallel_loop3A_1146 = vector.shape_cast %or3A : vector<16xi32> to vector<16x1xi32>
      %parallel_loop3A_1147 = vector.shape_cast %parallel_loop3A_1146 : vector<16x1xi32> to vector<16xi32>
      %parallel_loop3A_1148 = tpu.dynamic_gather %parallel_loop3A_1114[%parallel_loop3A_1147] in [0] : vector<16xf32>, vector<16xi32> -> vector<16xf32>
      %parallel_loop3A_1149 = arith.addf %parallel_loop3A_1114, %parallel_loop3A_1148 : vector<16xf32>
      %parallel_loop3A_1150 = arith.select %eq3A_35, %parallel_loop3A_1145, %parallel_loop3A_1149 : vector<16xi1>, vector<16xf32>
      %parallel_loop3A_1151 = vector.shape_cast %or3A : vector<16xi32> to vector<16x1xi32>
      %parallel_loop3A_1152 = vector.shape_cast %parallel_loop3A_1151 : vector<16x1xi32> to vector<16xi32>
      %parallel_loop3A_1153 = tpu.dynamic_gather %parallel_loop3A_1087[%parallel_loop3A_1152] in [0] : vector<16xf32>, vector<16xi32> -> vector<16xf32>
      %parallel_loop3A_1154 = arith.addf %parallel_loop3A_1087, %parallel_loop3A_1153 : vector<16xf32>
      %parallel_loop3A_1155 = vector.shape_cast %or3A : vector<16xi32> to vector<16x1xi32>
      %parallel_loop3A_1156 = vector.shape_cast %parallel_loop3A_1155 : vector<16x1xi32> to vector<16xi32>
      %parallel_loop3A_1157 = tpu.dynamic_gather %parallel_loop3A_1123[%parallel_loop3A_1156] in [0] : vector<16xf32>, vector<16xi32> -> vector<16xf32>
      %parallel_loop3A_1158 = arith.addf %parallel_loop3A_1123, %parallel_loop3A_1157 : vector<16xf32>
      %parallel_loop3A_1159 = arith.select %eq3A_35, %parallel_loop3A_1154, %parallel_loop3A_1158 : vector<16xi1>, vector<16xf32>
      %parallel_loop3A_1160 = vector.shape_cast %or3A : vector<16xi32> to vector<16x1xi32>
      %parallel_loop3A_1161 = vector.shape_cast %parallel_loop3A_1160 : vector<16x1xi32> to vector<16xi32>
      %parallel_loop3A_1162 = tpu.dynamic_gather %parallel_loop3A_1096[%parallel_loop3A_1161] in [0] : vector<16xf32>, vector<16xi32> -> vector<16xf32>
      %parallel_loop3A_1163 = arith.addf %parallel_loop3A_1096, %parallel_loop3A_1162 : vector<16xf32>
      %parallel_loop3A_1164 = vector.shape_cast %or3A : vector<16xi32> to vector<16x1xi32>
      %parallel_loop3A_1165 = vector.shape_cast %parallel_loop3A_1164 : vector<16x1xi32> to vector<16xi32>
      %parallel_loop3A_1166 = tpu.dynamic_gather %parallel_loop3A_1132[%parallel_loop3A_1165] in [0] : vector<16xf32>, vector<16xi32> -> vector<16xf32>
      %parallel_loop3A_1167 = arith.addf %parallel_loop3A_1132, %parallel_loop3A_1166 : vector<16xf32>
      %parallel_loop3A_1168 = arith.select %eq3A_35, %parallel_loop3A_1163, %parallel_loop3A_1167 : vector<16xi1>, vector<16xf32>
      %parallel_loop3A_1169 = vector.shape_cast %or3A_26 : vector<16xi32> to vector<16x1xi32>
      %parallel_loop3A_1170 = vector.shape_cast %parallel_loop3A_1169 : vector<16x1xi32> to vector<16xi32>
      %parallel_loop3A_1171 = tpu.dynamic_gather %parallel_loop3A_1141[%parallel_loop3A_1170] in [0] : vector<16xf32>, vector<16xi32> -> vector<16xf32>
      %parallel_loop3A_1172 = arith.addf %parallel_loop3A_1141, %parallel_loop3A_1171 : vector<16xf32>
      %parallel_loop3A_1173 = vector.shape_cast %or3A_26 : vector<16xi32> to vector<16x1xi32>
      %parallel_loop3A_1174 = vector.shape_cast %parallel_loop3A_1173 : vector<16x1xi32> to vector<16xi32>
      %parallel_loop3A_1175 = tpu.dynamic_gather %parallel_loop3A_1159[%parallel_loop3A_1174] in [0] : vector<16xf32>, vector<16xi32> -> vector<16xf32>
      %parallel_loop3A_1176 = arith.addf %parallel_loop3A_1159, %parallel_loop3A_1175 : vector<16xf32>
      %parallel_loop3A_1177 = arith.select %eq3A_41, %parallel_loop3A_1172, %parallel_loop3A_1176 : vector<16xi1>, vector<16xf32>
      %parallel_loop3A_1178 = vector.shape_cast %or3A_26 : vector<16xi32> to vector<16x1xi32>
      %parallel_loop3A_1179 = vector.shape_cast %parallel_loop3A_1178 : vector<16x1xi32> to vector<16xi32>
      %parallel_loop3A_1180 = tpu.dynamic_gather %parallel_loop3A_1150[%parallel_loop3A_1179] in [0] : vector<16xf32>, vector<16xi32> -> vector<16xf32>
      %parallel_loop3A_1181 = arith.addf %parallel_loop3A_1150, %parallel_loop3A_1180 : vector<16xf32>
      %parallel_loop3A_1182 = vector.shape_cast %or3A_26 : vector<16xi32> to vector<16x1xi32>
      %parallel_loop3A_1183 = vector.shape_cast %parallel_loop3A_1182 : vector<16x1xi32> to vector<16xi32>
      %parallel_loop3A_1184 = tpu.dynamic_gather %parallel_loop3A_1168[%parallel_loop3A_1183] in [0] : vector<16xf32>, vector<16xi32> -> vector<16xf32>
      %parallel_loop3A_1185 = arith.addf %parallel_loop3A_1168, %parallel_loop3A_1184 : vector<16xf32>
      %parallel_loop3A_1186 = arith.select %eq3A_41, %parallel_loop3A_1181, %parallel_loop3A_1185 : vector<16xi1>, vector<16xf32>
      %parallel_loop3A_1187 = vector.shape_cast %xor3A_28 : vector<16xi32> to vector<16x1xi32>
      %parallel_loop3A_1188 = vector.shape_cast %parallel_loop3A_1187 : vector<16x1xi32> to vector<16xi32>
      %parallel_loop3A_1189 = tpu.dynamic_gather %parallel_loop3A_1177[%parallel_loop3A_1188] in [0] : vector<16xf32>, vector<16xi32> -> vector<16xf32>
      %parallel_loop3A_1190 = arith.addf %parallel_loop3A_1177, %parallel_loop3A_1189 : vector<16xf32>
      %parallel_loop3A_1191 = vector.shape_cast %xor3A_28 : vector<16xi32> to vector<16x1xi32>
      %parallel_loop3A_1192 = vector.shape_cast %parallel_loop3A_1191 : vector<16x1xi32> to vector<16xi32>
      %parallel_loop3A_1193 = tpu.dynamic_gather %parallel_loop3A_1186[%parallel_loop3A_1192] in [0] : vector<16xf32>, vector<16xi32> -> vector<16xf32>
      %parallel_loop3A_1194 = arith.addf %parallel_loop3A_1186, %parallel_loop3A_1193 : vector<16xf32>
      %parallel_loop3A_1195 = arith.select %eq3A_47, %parallel_loop3A_1190, %parallel_loop3A_1194 : vector<16xi1>, vector<16xf32>
      %parallel_loop3A_1196 = arith.constant -5.000000e-01 : f32
      %parallel_loop3A_1197 = vector.broadcast %parallel_loop3A_1196 : f32 to vector<16xf32>
      %parallel_loop3A_1198 = arith.mulf %parallel_loop3A_1195, %parallel_loop3A_1197 : vector<16xf32>
      %parallel_loop3A_1199 = arith.index_cast %parallel_loop3A_52 : i32 to index
      %parallel_loop3A_1200 = tpu.vector_load %arg5[%parallel_loop3A_1199] {strides = array<i32>} : memref<512xf32, #tpu.memory_space<vmem>>, vector<16xf32>,
      %parallel_loop3A_1201 = vector.shape_cast %parallel_loop3A_1200 : vector<16xf32> to vector<16xf32>
      %parallel_loop3A_1202 = vector.shape_cast %parallel_loop3A_1198 : vector<16xf32> to vector<16xf32>
      tpu.vector_store %arg5[%parallel_loop3A_1199], %parallel_loop3A_1202 {strides = array<i32>} : memref<512xf32, #tpu.memory_space<vmem>>, vector<16xf32>,
    } {sc.loop_unroll_factor = 1 : i64, sc.parallel_access}
    "tpu.region"() ({
      %run_scoped3A = tpu.sem_alloc : memref<!tpu.dma_semaphore, #tpu.memory_space<semaphore_mem>>
      %dma_start3A = tpu.memref_slice %arg3[%mul3A_2] : memref<16384xf32, #tpu.memory_space<hbm>> -> memref<512xf32, #tpu.memory_space<hbm>>
      %dma_start3A_50 = tpu.memref_slice %arg3[%mul3A_2] : memref<16384xf32, #tpu.memory_space<hbm>> -> memref<512xf32, #tpu.memory_space<hbm>>
      tpu.enqueue_dma source(%arg5 : memref<512xf32, #tpu.memory_space<vmem>>) target(%dma_start3A_50 : memref<512xf32, #tpu.memory_space<hbm>>) target_semaphore(%run_scoped3A : memref<!tpu.dma_semaphore, #tpu.memory_space<semaphore_mem>>)
      %dma_wait3A = tpu.memref_slice %arg3[%mul3A_2] : memref<16384xf32, #tpu.memory_space<hbm>> -> memref<512xf32, #tpu.memory_space<hbm>>
      %dma_wait3A_51 = tpu.memref_slice %arg3[%mul3A_2] : memref<16384xf32, #tpu.memory_space<hbm>> -> memref<512xf32, #tpu.memory_space<hbm>>
      tpu.wait_dma2 semaphore(%run_scoped3A : memref<!tpu.dma_semaphore, #tpu.memory_space<semaphore_mem>>) src(%arg5 : memref<512xf32, #tpu.memory_space<vmem>>) dst(%dma_wait3A_51 : memref<512xf32, #tpu.memory_space<hbm>>)
      tpu.yield
    }) : () -> ()
    return
  }
}

</mosaic_0001>

<sc_bundles>
// kernel: kernel.3.cloned.1.call-start
scs
__scs_entry_jumppad:
0x0: {  	(pc) =	sbr.rel $0x88, $3  }
0x1: {  	(tag) =	ssettag $0x0;
	lr =	simm.s32 $0x1  }
0x2: {  	[smem:$0x3FA0] =	sst lr;
	_ =	strace $0xD0000000  }
0x3: {  	_ = 	snop  }
0x4: {  	_ = 	snop  }
0x5: {  	_ = 	snop  }
0x6: {  	_ = 	snop  }
0x7: {  	_ = 	snop  }
__scs_overlays_trampoline_lowered:
0x8: {  	[smem:$0x3FAF] =	sst s0  }
0x9: {  	[smem:$0x3FB0] =	sst s1  }
0xa: {  	[smem:$0x3FB1] =	sst s2  }
0xb: {  	[smem:$0x3FB2] =	sst s3  }
0xc: {  	[smem:$0x3FB3] =	sst s4  }
0xd: {  	[smem:$0x3FB4] =	sst s5  }
0xe: {  	[smem:$0x3FB5] =	sst s6  }
0xf: {  	[smem:$0x3FB6] =	sst s7  }
0x10: {  	[smem:$0x3FB7] =	sst s8  }
0x11: {  	[smem:$0x3FB8] =	sst s9;
	s0 =	simm.s32 @!p0 $0x0  }
0x12: {  	s1 =	sld [smem:$0x3F9E];
	s0 =	simm.s32 @p0 $0x1  }
0x13: {  	[smem:$0x3FB9] =	sst s0;
	s0 =	simm.s32 @!p1 $0x0  }
0x14: {  	s2 =	sld [smem:$0x3F9D];
	s0 =	simm.s32 @p1 $0x1  }
0x15: {  	[smem:$0x3FBA] =	sst s0;
	s0 =	simm.s32 @!p2 $0x0  }
0x16: {  	s3 =	sld [smem:$0x3FDB];
	s0 =	simm.s32 @p2 $0x1  }
0x17: {  	s4 =	simm.s32 $0x1BF5;
	[smem:$0x3FBC] =	sst s0  }
0x18: {  	s0 =	sld [smem:$0x3F9F];
	_ =	swait.ge [sflag:s4], $0x0  }
0x19: {  	s7 =	sld [smem:$0x3FA0]  }
0x1a: {  	s8 =	sadd.s32 $0xFFFFE003, lr  }
0x1b: {  	s9 =	sadd.s32 $0xFFFFFEF7, lr;
	s5 =	simm.s32 $0xFFFFFFFF;
	p2 =	slt.u32 s8, $0xFFFFF086  }
0x1c: {  	p1 =	slt.u32 s9, $0xF7A;
	s5 =	simm.s32 @!p2 $0x0  }
0x1d: {  	s5 =	simm.s32 @p1 $0x1;
	p0 =	seq.s32 s7, s2  }
0x1e: {  	s7 =	smul.u32 @!p0 $0xF7A, s2;
	p2 =	seq.s32 @!p0 s5, $0x0  }
0x1f: {  	s9 =	smul.u32 $0xF7A, s1;
	s8 =	simm.s32 @!p0 $0x1BF5;
	p2 =	por !p2, p0  }
0x20: {  	[sflag:s8] =	ssyncset.s32 @!p0 $0xFFFFF086;
	s6 =	sadd.s32 @!p0 s3, s7;
	s7 =	simm.s32 @!p0 $0x108  }
0x21: {  	s3 =	sadd.s32 s3, s9;
	s6 =	sadd.s32 @!p0 $0x88, s6;
	s7 =	simm.s32 @p2 $0x1082  }
0x22: {  	[simem:s7], [sflag:s8] =	dma.local @!p0 [hbm:s6], $0xF7A  }
0x23: {  	s9 =	sor.u32 $0xD0000000, s2;
	s6 =	simm.s32 $0x108;
	_ =	swait.ge @!p0 [sflag:s8], $0x0  }
0x24: {  	s3 =	sadd.s32 $0x88, s3;
	s6 =	simm.s32 @!p1 $0x1082;
	[sflag:s4] =	ssyncset.s32 $0xFFFFF086  }
0x25: {  	[simem:s6], [sflag:s4] =	dma.local [hbm:s3], $0xF7A  }
0x26: {  	[smem:$0x3FA0] =	sst s1;
	(tag) =	ssettag s2;
	_ =	strace s9  }
0x27: {  	s1 =	sld [smem:$0x3FB0]  }
0x28: {  	s2 =	sld [smem:$0x3FB1]  }
0x29: {  	s4 =	sld [smem:$0x3FB3]  }
0x2a: {  	p0 =	seq.s32 s5, $0x0;
	s5 =	sld [smem:$0x3FB4]  }
0x2b: {  	s6 =	sld [smem:$0x3FB5]  }
0x2c: {  	s7 =	sld [smem:$0x3FB6]  }
0x2d: {  	s3 =	simm.s32 $0x108;
	s8 =	sld [smem:$0x3FB7]  }
0x2e: {  	s3 =	simm.s32 @!p0 $0x1082;
	s9 =	sld [smem:$0x3FB8]  }
0x2f: {  	lr =	sadd.s32 s0, s3;
	s0 =	sld [smem:$0x3FAF]  }
0x30: {  	s3 =	sld [smem:$0x3FB2]  }
0x31: {  	[smem:$0x3FBB] =	sst s10  }
0x32: {  	s10 =	sld [smem:$0x3FB9];
	_ =	sdelay $0x3  }
0x33: {  	p0 =	seq.s32 s10, $0x1;
	s10 =	sld [smem:$0x3FBB];
	_ =	sdelay $0x3  }
0x34: {  	[smem:$0x3FBB] =	sst s10  }
0x35: {  	s10 =	sld [smem:$0x3FBA];
	_ =	sdelay $0x3  }
0x36: {  	p1 =	seq.s32 s10, $0x1;
	s10 =	sld [smem:$0x3FBB];
	_ =	sdelay $0x3  }
0x37: {  	[smem:$0x3FBB] =	sst s10  }
0x38: {  	s10 =	sld [smem:$0x3FBC]  }
0x39: {  	_ = 	snop;
	(pc) =	sbr.ind lr, $3  }
0x3a: {  	_ = 	snop  }
0x3b: {  	_ = 	snop  }
0x3c: {  	p2 =	seq.s32 s10, $0x1;
	s10 =	sld [smem:$0x3FBB]  }
0x3d: {  	_ =	shalt  }
0x3e: {  	_ =	shalt  }
0x3f: {  	_ =	shalt  }
0x40: {  	_ =	shalt  }
0x41: {  	_ =	shalt  }
0x42: {  	_ =	shalt  }
0x43: {  	_ =	shalt  }
0x44: {  	_ =	shalt  }
0x45: {  	_ =	shalt  }
0x46: {  	_ =	shalt  }
0x47: {  	_ =	shalt  }
0x48: {  	_ =	shalt  }
0x49: {  	_ =	shalt  }
0x4a: {  	_ =	shalt  }
0x4b: {  	_ =	shalt  }
0x4c: {  	_ =	shalt  }
0x4d: {  	_ =	shalt  }
0x4e: {  	_ =	shalt  }
0x4f: {  	_ =	shalt  }
0x50: {  	_ =	shalt  }
0x51: {  	_ =	shalt  }
0x52: {  	_ =	shalt  }
0x53: {  	_ =	shalt  }
0x54: {  	_ =	shalt  }
0x55: {  	_ =	shalt  }
0x56: {  	_ =	shalt  }
0x57: {  	_ =	shalt  }
0x58: {  	_ =	shalt  }
0x59: {  	_ =	shalt  }
0x5a: {  	_ =	shalt  }
0x5b: {  	_ =	shalt  }
0x5c: {  	_ =	shalt  }
0x5d: {  	_ =	shalt  }
0x5e: {  	_ =	shalt  }
0x5f: {  	_ =	shalt  }
0x60: {  	_ =	shalt  }
0x61: {  	_ =	shalt  }
0x62: {  	_ =	shalt  }
0x63: {  	_ =	shalt  }
0x64: {  	_ =	shalt  }
0x65: {  	_ =	shalt  }
0x66: {  	_ =	shalt  }
0x67: {  	_ =	shalt  }
0x68: {  	_ =	shalt  }
0x69: {  	_ =	shalt  }
0x6a: {  	_ =	shalt  }
0x6b: {  	_ =	shalt  }
0x6c: {  	_ =	shalt  }
0x6d: {  	_ =	shalt  }
0x6e: {  	_ =	shalt  }
0x6f: {  	_ =	shalt  }
0x70: {  	_ =	shalt  }
0x71: {  	_ =	shalt  }
0x72: {  	_ =	shalt  }
0x73: {  	_ =	shalt  }
0x74: {  	_ =	shalt  }
0x75: {  	_ =	shalt  }
0x76: {  	_ =	shalt  }
0x77: {  	_ =	shalt  }
0x78: {  	_ =	shalt  }
0x79: {  	_ =	shalt  }
0x7a: {  	_ =	shalt  }
0x7b: {  	_ =	shalt  }
0x7c: {  	_ =	shalt  }
0x7d: {  	_ =	shalt  }
0x7e: {  	_ =	shalt  }
0x7f: {  	_ =	shalt  }
0x80: {  	_ =	shalt  }
0x81: {  	_ =	shalt  }
0x82: {  	_ =	shalt  }
0x83: {  	_ =	shalt  }
0x84: {  	_ =	shalt  }
0x85: {  	_ =	shalt  }
0x86: {  	_ =	shalt  }
0x87: {  	_ =	shalt  }
.Lfunc_end0:
.L_simem_size_0:
called_computation_lowered:
.L_overlay_start_0:
0x88: {  	s2 =	sld [smem:$0x3FD9]  }
0x89: {  	s3 =	sld [smem:$0x3FFE];
	_ =	sdelay $0x1  }
0x8a: {  	s1 =	srdreg.scid  }
0x8b: {  	s0 =	sand.u32 $0x1, s1  }
0x8c: {  	s18 =	sshll.u32 s0, $0xA;
	s2 =	sadd.s32 s3, s2  }
0x8d: {  	s2 =	sadd.s32 s2, s18  }
0x8e: {  	[smem:$0x3FC7] =	sst s2  }
0x8f: {  	_ = 	snop  }
0x90: {  	s2 =	sld [smem:$0x3FC9]  }
0x91: {  	s19 =	sld [smem:$0x3FD0];
	(tm) =	ssettm $0x1  }
0x92: {  	s4 =	sld [smem:$0x3FFB];
	_ =	sdelay $0x3  }
0x93: {  	_ =	strace s4  }
0x94: {  	s4 =	sld [smem:$0x3FFC];
	_ =	sdelay $0x3  }
0x95: {  	_ =	strace s4  }
0x96: {  	s4 =	sld [smem:$0x3FFD];
	_ =	sdelay $0x3  }
0x97: {  	_ =	strace s4  }
0x98: {  	_ =	strace $0x8FFFFFFF  }
0x99: {  	s20 =	sld [smem:$0x3FDB];
	_ =	sdelay $0x1  }
0x9a: {  	s5 =	simm.s32 $_scs_section_size  }
0x9b: {  	s6 =	simm.s32 $_size__tile_overlayer_lowered;
	s7 =	simm.s32 $_tile_overlayer_lowered  }
0x9c: {  	s23 =	simm.s32 $0x1BFF;
	s22 =	sshll.u32 s7, $0x1;
	s4 =	sadd.s32 s5, s20  }
0x9d: {  	s8 =	simm.s32 $0x0;
	s21 =	sshll.u32 s6, $0x1;
	s6 =	sadd.s32 s22, s4  }
0x9e: {  	[timem:s8], [sflag:s23] =	dma.local [hbm:s6], s21  }
0x9f: {  	_ =	swait.ge [sflag:s23], s21  }
0xa0: {  	s5 =	ssub.s32 $0x0, s21;
	[sflag:s23] =	ssyncset.done $0x0  }
0xa1: {  	[sflag:s23] =	ssyncadd.s32 s5;
	_ =	sdelay $0x1  }
0xa2: {  	s24 =	simm.s32 $0x1B8B  }
0xa3: {  	_ =	swait.ge [sflag:s24], $0x1  }
0xa4: {  	[sflag:s24] =	ssyncset.done $0x0  }
0xa5: {  	s25 =	simm.s32 $0x1B8E;
	[sflag:s24] =	ssyncadd.s32 $0xFFFFFFFF  }
0xa6: {  	s26 =	simm.s32 $execute0_lowered;
	[smem:$0x3FD2] =	sst s25  }
0xa7: {  	s5 =	sshll.u32 s26, $0x1;
	_ =	strace $0x80000046;
	[dreg:$0x1] =	wrdreg $0xFFFFFFFF  }
0xa8: {  	s28 =	simm.s32 $_size_execute0_lowered;
	s4 =	sadd.s32 s4, s5;
	[dreg:$0x0] =	wrdreg $0x0  }
0xa9: {  	s5 =	sshll.u32 s28, $0x1;
	[dreg:$0x2] =	wrdreg s4  }
0xaa: {  	[dreg:$0x3] =	wrdreg s5  }
0xab: {  	[dreg:$0x4] =	wrdreg $0xC0  }
0xac: {  	_ =	task [dreg:s8], $0x5FFFF  }
0xad: {  	[dreg:$0x1] =	wrdreg $0xFFFFFFFF  }
0xae: {  	[dreg:$0x0] =	wrdreg $0x60  }
0xaf: {  	[dreg:$0x2] =	wrdreg s2  }
0xb0: {  	[dreg:$0x3] =	wrdreg s19  }
0xb1: {  	[dreg:$0x4] =	wrdreg $0x9  }
0xb2: {  	_ =	task.clear_ibuf [dreg:s8], $0x5FFFF;
	_ =	strace $0x90000046  }
0xb3: {  	s29 =	simm.s32 $0x9;
	_ =	strace $0x80000048  }
0xb4: {  	_ =	swait.ge [sflag:s29], $0x1  }
0xb5: {  	[sflag:s29] =	ssyncadd.s32 $0xFFFFFFFF  }
0xb6: {  	_ =	strace $0x90000048  }
0xb7: {  	_ =	sfence  }
0xb8: {  	s30 =	sld [smem:$0x0];
	_ =	sdelay $0x2  }
0xb9: {  	s31 =	sshll.u32 s1, $0xD;
	s1 =	sshrl.u32 s1, $0x2  }
0xba: {  	s3 =	sand.u32 $0x4000, s31;
	s1 =	sadd.s32 s1, s30  }
0xbb: {  	s0 =	sor.u32 s3, s0;
	s1 =	sshll.u32 s1, $0x11  }
0xbc: {  	s0 =	sor.u32 s1, s0  }
0xbd: {  	s0 =	sadd.s32 $0x8F2B, s0  }
0xbe: {  	[sflag:s0] =	ssyncadd.remote.s32 $0x1  }
0xbf: {  	_ =	sfence.sel $0xFFFF  }
0xc0: {  	[dreg:$0x0] =	wrdreg $0xFFFFFFFF;
	(pc) =	sbr.abs _section_cstart, $3  }
0xc1: {  	[dreg:$0x1] =	wrdreg $0xFFFFFFFF  }
0xc2: {  	_ =	task.clear_ibuf [dreg:s8], $0x2FFFF;
	_ =	strace $0x9FFFFFFF  }
0xc3: {  	(tm) =	ssettm $0x7FFFFFFF  }
tec
execute0_lowered:
.L_overlay_start_1:
0x0: {  	(tag) =	ssettag $0x1  }
0x1: {  	v0 =	vimm.s32 $0x76543210  }
0x2: {  	v1 =	vimm.s32 $0xFEDCBA98;
	v2 =	vimm.s32 $0xBA98FEDC;
	v3 =	vimm.s32 $0x32107654  }
0x3: {  	v4 =	vimm.s32 $0xDCFE98BA;
	v5 =	vimm.s32 $0x54761032;
	vm0 =	vcmask $0x2F20  }
0x4: {  	vm1 =	vcmask $0xF00;
	vm2 =	vcmask $0x1710;
	vm3 =	vcmask $0x700  }
0x5: {  	v62 =	vimm.s32 $0xEFCDAB89;
	v63 =	vimm.s32 $0x67452301;
	vm4 =	vcmask $0x300  }
0x6: {  	v0 =	vunpack.c.l.s4.s8 v0;
	v1 =	vunpack.c.l.s4.s8 v1;
	v2 =	vunpack.c.l.s4.s8 v2  }
0x7: {  	v3 =	vunpack.c.l.s4.s8 v3;
	v4 =	vunpack.c.l.s4.s8 v4;
	v59 =	vunpack.c.l.s4.s8 v5  }
0x8: {  	vm0 =	vmor vm1, vm0;
	vm1 =	vmor vm3, vm2;
	vm2 =	vcmask $0x2720  }
0x9: {  	vm3 =	vcmask $0xB08;
	vm1 =	vmor vm1, vm2;
	vm2 =	vcmask $0x3730  }
0xa: {  	vm3 =	vmor vm4, vm3;
	vm4 =	vcmask $0x1310;
	v0 =	vunpack.c.0.s8.s32 v0  }
0xb: {  	v1 =	vunpack.c.0.s8.s32 v1;
	v2 =	vunpack.c.0.s8.s32 v2;
	v3 =	vunpack.c.0.s8.s32 v3  }
0xc: {  	s3 =	rddreg [dreg:$0x0];
	v61 =	vunpack.c.0.s8.s32 v4;
	vm3 =	vmor vm3, vm4;
	vm4 =	vcmask $0x1B18  }
0xd: {  	s4 =	rddreg [dreg:$0x1];
	v4 =	vunpack.c.l.s4.s8 v63;
	vm1 =	vmor vm1, vm2;
	vm2 =	vmor vm3, vm4  }
0xe: {  	s0 =	rddreg [dreg:$0x2];
	s1 =	simm.s32 $0x0;
	s5 =	srdreg.scid;
	vm3 =	vcmask $0x2320;
	v58 =	vcombine.low v3, v2;
	v3 =	vunpack.c.l.s4.s8 v62  }
0xf: {  	s2 =	stileid.u32;
	[smem:$0x7FF] =	sst s1;
	s5 =	sand.u32 $0x1, s5;
	vm4 =	vcmask $0x2B28;
	v1 =	vand.u32 $0xF, v1;
	v2 =	vunpack.c.0.s8.s32 v59  }
0x10: {  	s7 =	sshll.u32 s2, $0x9;
	s6 =	ssub.s32 $0x2, s5;
	s5 =	sshll.u32 s5, $0xD;
	v4 =	vunpack.c.0.s8.s32 v4;
	vm3 =	vmor vm2, vm3;
	v3 =	vunpack.c.0.s8.s32 v3  }
0x11: {  	_ =	strace $0x80000047;
	s8 =	sshrl.u32 s6, $0x1;
	s5 =	sor.u32 s7, s5;
	vm2 =	vmmov $0xff;
	v60 =	vcombine.low v1, v0;
	vm3 =	vmor vm3, vm4  }
0x12: {  	s6 =	ssub.s32 s6, s8;
	s7 =	sshll.u32 s5, $0x4;
	s5 =	sshrl.u32 s5, $0x3;
	vm4 =	vcmask $0x3330;
	v2 =	vcombine.low v2, v61;
	v3 =	vcombine.low v4, v3  }
0x13: {  	s8 =	simm.s32 $0x0;
	s3 =	sadd.s32 s3, s7;
	s4 =	sadd.s32 s4, s5;
	v61 =	vand.u32 $0xF, v58;
	vm3 =	vmor vm3, vm4;
	vm4 =	vcmask $0x3B38  }
0x14: {  	s5 =	smax.u32 s6, $0x1;
	s6 =	simm.s32 $0x1;
	s7 =	simm.s32 $0x10000;
	vm3 =	vmor vm3, vm4;
	v62 =	vand.u32 $0xF, v2;
	v63 =	vand.u32 $0xF, v3  }
.LBB2_1:
0x15: {  	[tilespmem:s1], [sflag:$0x1] =	stream.linear.gather [hbm4b:s3+s1], $0x10000, $0x38;
	[tilespmem:$0x10200] =	vst v63  }
0x16: {  	_ =	swait.ge [sflag:s6], $0x10000  }
0x17: {  	[sflag:s6] =	ssyncset.done $0x0  }
0x18: {  	s9 =	simm.s32 $0x400;
	[sflag:s6] =	ssyncadd.s32 $0xFFFF0000  }
0x19: {  	v4 =	vld [tilespmem:s9+$0xFFFFFC70]  }
0x1a: {  	v6 =	vld [tilespmem:s9+$0xFFFFFCF0]  }
0x1b: {  	v5 =	vld [tilespmem:s9+$0xFFFFFD70]  }
0x1c: {  	v7 =	vld [tilespmem:s9+$0xFFFFFDF0]  }
0x1d: {  	v8 =	vld [tilespmem:s9+$0xFFFFFE70]  }
0x1e: {  	v9 =	vld [tilespmem:s9+$0xFFFFFEF0]  }
0x1f: {  	v10 =	vld [tilespmem:s9+$0xFFFFFF70]  }
0x20: {  	v11 =	vld [tilespmem:s9+$0xFFFFFFF0]  }
0x21: {  	v14 =	vld [tilespmem:s9+$0xFFFFFC60]  }
0x22: {  	v12 =	vld [tilespmem:s9+$0xFFFFFCE0]  }
0x23: {  	v13 =	vld [tilespmem:s9+$0xFFFFFD60]  }
0x24: {  	v20 =	vld [tilespmem:s9+$0xFFFFFC50]  }
0x25: {  	v18 =	vld [tilespmem:s9+$0xFFFFFCD0]  }
0x26: {  	v19 =	vld [tilespmem:s9+$0xFFFFFD50]  }
0x27: {  	v17 =	vld [tilespmem:s9+$0xFFFFFDD0]  }
0x28: {  	v16 =	vld [tilespmem:s9+$0xFFFFFE50]  }
0x29: {  	v15 =	vld [tilespmem:s9+$0xFFFFFED0]  }
0x2a: {  	v25 =	vld [tilespmem:s9+$0xFFFFFC40]  }
0x2b: {  	v24 =	vld [tilespmem:s9+$0xFFFFFCC0]  }
0x2c: {  	v23 =	vld [tilespmem:s9+$0xFFFFFD40]  }
0x2d: {  	v21 =	vld [tilespmem:s9+$0xFFFFFDC0]  }
0x2e: {  	v22 =	vld [tilespmem:s9+$0xFFFFFE40]  }
0x2f: {  	v30 =	vld [tilespmem:s9+$0xFFFFFC30]  }
0x30: {  	v28 =	vld [tilespmem:s9+$0xFFFFFCB0]  }
0x31: {  	v29 =	vld [tilespmem:s9+$0xFFFFFD30]  }
0x32: {  	v26 =	vld [tilespmem:s9+$0xFFFFFDB0]  }
0x33: {  	v27 =	vld [tilespmem:s9+$0xFFFFFE30]  }
0x34: {  	v31 =	vld [tilespmem:s9+$0xFFFFFC20]  }
0x35: {  	v32 =	vld [tilespmem:s9+$0xFFFFFCA0]  }
0x36: {  	v33 =	vld [tilespmem:s9+$0xFFFFFD20]  }
0x37: {  	v34 =	vld [tilespmem:s9+$0xFFFFFDA0]  }
0x38: {  	v35 =	vld [tilespmem:s9+$0xFFFFFE20]  }
0x39: {  	v36 =	vld [tilespmem:s9+$0xFFFFFEA0]  }
0x3a: {  	v37 =	vld [tilespmem:s9+$0xFFFFFC00]  }
0x3b: {  	v38 =	vld [tilespmem:s9+$0xFFFFFC10]  }
0x3c: {  	v39 =	vld [tilespmem:s9+$0xFFFFFC80]  }
0x3d: {  	v40 =	vld [tilespmem:s9+$0xFFFFFC90]  }
0x3e: {  	v41 =	vld [tilespmem:s9+$0xFFFFFD00]  }
0x3f: {  	v42 =	vld [tilespmem:s9+$0xFFFFFD10]  }
0x40: {  	v43 =	vld [tilespmem:s9+$0xFFFFFD80]  }
0x41: {  	v44 =	vld [tilespmem:s9+$0xFFFFFD90]  }
0x42: {  	v45 =	vld [tilespmem:s9+$0xFFFFFE00]  }
0x43: {  	v46 =	vld [tilespmem:s9+$0xFFFFFE10]  }
0x44: {  	v47 =	vld [tilespmem:s9+$0xFFFFFE80]  }
0x45: {  	v48 =	vld [tilespmem:s9+$0xFFFFFE90]  }
0x46: {  	v49 =	vld [tilespmem:s9+$0xFFFFFF00]  }
0x47: {  	v50 =	vld [tilespmem:s9+$0xFFFFFF10]  }
0x48: {  	v51 =	vld [tilespmem:s9+$0xFFFFFF80]  }
0x49: {  	v52 =	vld [tilespmem:s9+$0xFFFFFF90]  }
0x4a: {  	v53 =	vld [tilespmem:s9+$0x0]  }
0x4b: {  	v54 =	vld [tilespmem:s9+$0x10]  }
0x4c: {  	v55 =	vld [tilespmem:s9+$0x80]  }
0x4d: {  	v56 =	vld [tilespmem:s9+$0x90];
	v31 =	vmul.f32 v31, v31;
	v37 =	vmul.f32 v37, v37  }
0x4e: {  	v57 =	vld [tilespmem:s9+$0x100];
	v38 =	vmul.f32 v38, v38;
	v39 =	vmul.f32 v39, v39  }
0x4f: {  	v58 =	vld [tilespmem:s9+$0x110];
	v40 =	vmul.f32 v40, v40;
	v41 =	vmul.f32 v41, v41  }
0x50: {  	v59 =	vld [tilespmem:s9+$0x180];
	v42 =	vmul.f32 v42, v42;
	v43 =	vmul.f32 v43, v43  }
0x51: {  	v1 =	vld [tilespmem:s9+$0x190];
	v44 =	vmul.f32 v44, v44;
	v45 =	vmul.f32 v45, v45  }
0x52: {  	v2 =	vld [tilespmem:s9+$0x280];
	v46 =	vmul.f32 v46, v46;
	v47 =	vmul.f32 v47, v47  }
0x53: {  	v0 =	vld [tilespmem:s9+$0xFFFFFF20];
	v48 =	vmul.f32 v48, v48;
	v49 =	vmul.f32 v49, v49  }
0x54: {  	v50 =	vmul.f32 v50, v50;
	v51 =	vmul.f32 v51, v51;
	v39 =	vadd.f32 v40, v39;
	v40 =	vld [tilespmem:s9+$0x200]  }
0x55: {  	v52 =	vmul.f32 v52, v52;
	v53 =	vmul.f32 v53, v53;
	v41 =	vadd.f32 v42, v41;
	v42 =	vld [tilespmem:s9+$0x210]  }
0x56: {  	v54 =	vmul.f32 v54, v54;
	v55 =	vmul.f32 v55, v55;
	v45 =	vadd.f32 v46, v45;
	v46 =	vld [tilespmem:s9+$0x290]  }
0x57: {  	v56 =	vmul.f32 v56, v56;
	v57 =	vmul.f32 v57, v57;
	v47 =	vadd.f32 v48, v47;
	v48 =	vld [tilespmem:s9+$0x300]  }
0x58: {  	v58 =	vmul.f32 v58, v58;
	v59 =	vmul.f32 v59, v59;
	v49 =	vadd.f32 v50, v49;
	v50 =	vld [tilespmem:s9+$0x310]  }
0x59: {  	v32 =	vmul.f32 v32, v32;
	v33 =	vmul.f32 v33, v33;
	v51 =	vadd.f32 v52, v51;
	v52 =	vld [tilespmem:s9+$0x380]  }
0x5a: {  	v34 =	vmul.f32 v34, v34;
	v35 =	vmul.f32 v35, v35;
	v53 =	vadd.f32 v54, v53;
	v54 =	vld [tilespmem:s9+$0x390]  }
0x5b: {  	v36 =	vmul.f32 v36, v36;
	v37 =	vadd.f32 v38, v37;
	v38 =	vmul.f32 v1, v1;
	v1 =	vld [tilespmem:s9+$0xFFFFFFA0]  }
0x5c: {  	v30 =	vmul.f32 v30, v30;
	v43 =	vadd.f32 v44, v43;
	v44 =	vmul.f32 v2, v2;
	v2 =	vld [tilespmem:s9+$0x20]  }
0x5d: {  	v28 =	vmul.f32 v28, v28;
	v29 =	vmul.f32 v29, v29;
	v57 =	vadd.f32 v58, v57;
	v58 =	vld [tilespmem:s9+$0xFFFFFEB0]  }
0x5e: {  	v26 =	vmul.f32 v26, v26;
	v27 =	vmul.f32 v27, v27;
	v31 =	vadd.f32 v31, v37;
	v37 =	vld [tilespmem:s9+$0x220]  }
0x5f: {  	v25 =	vmul.f32 v25, v25;
	v24 =	vmul.f32 v24, v24;
	v32 =	vadd.f32 v32, v39;
	v39 =	vld [tilespmem:s9+$0x2A0]  }
0x60: {  	v23 =	vmul.f32 v23, v23;
	v21 =	vmul.f32 v21, v21;
	v34 =	vadd.f32 v34, v43;
	v43 =	vld [tilespmem:s9+$0x320]  }
0x61: {  	v22 =	vmul.f32 v22, v22;
	v38 =	vadd.f32 v38, v59;
	v33 =	vadd.f32 v33, v41;
	v59 =	vld [tilespmem:s9+$0xFFFFFF30]  }
0x62: {  	v20 =	vmul.f32 v20, v20;
	v18 =	vmul.f32 v18, v18;
	v30 =	vadd.f32 v30, v31;
	v31 =	vld [tilespmem:s9+$0x230]  }
0x63: {  	v41 =	vmul.f32 v0, v0;
	v35 =	vadd.f32 v35, v45;
	v29 =	vadd.f32 v29, v33;
	v33 =	vld [tilespmem:s9+$0x2B0]  }
0x64: {  	v28 =	vadd.f32 v28, v32;
	v0 =	vmul.f32 v1, v1;
	v1 =	vmul.f32 v2, v2;
	v2 =	vld [tilespmem:s9+$0x3A0]  }
0x65: {  	v19 =	vmul.f32 v19, v19;
	v17 =	vmul.f32 v17, v17;
	v25 =	vadd.f32 v25, v30;
	v30 =	vld [tilespmem:s9+$0x1C0]  }
0x66: {  	v16 =	vmul.f32 v16, v16;
	v27 =	vadd.f32 v27, v35;
	v24 =	vadd.f32 v24, v28;
	v28 =	vld [tilespmem:s9+$0x240]  }
0x67: {  	v40 =	vmul.f32 v40, v40;
	v42 =	vmul.f32 v42, v42;
	v23 =	vadd.f32 v23, v29;
	v29 =	vld [tilespmem:s9+$0x2C0]  }
0x68: {  	v15 =	vmul.f32 v15, v15;
	v46 =	vmul.f32 v46, v46;
	v22 =	vadd.f32 v22, v27;
	v27 =	vld [tilespmem:s9+$0x340]  }
0x69: {  	v48 =	vmul.f32 v48, v48;
	v50 =	vmul.f32 v50, v50;
	v40 =	vadd.f32 v42, v40;
	v42 =	vld [tilespmem:s9+$0xA0]  }
0x6a: {  	v14 =	vmul.f32 v14, v14;
	v55 =	vadd.f32 v56, v55;
	v44 =	vadd.f32 v46, v44;
	v46 =	vld [tilespmem:s9+$0x120]  }
0x6b: {  	v12 =	vmul.f32 v12, v12;
	v41 =	vadd.f32 v41, v49;
	v48 =	vadd.f32 v50, v48;
	v50 =	vld [tilespmem:s9+$0x1A0]  }
0x6c: {  	v52 =	vmul.f32 v52, v52;
	v54 =	vmul.f32 v54, v54;
	v49 =	vadd.f32 v0, v51;
	v0 =	vld [tilespmem:s9+$0xFFFFFFB0]  }
0x6d: {  	v13 =	vmul.f32 v13, v13;
	v26 =	vadd.f32 v26, v34;
	v51 =	vadd.f32 v1, v53;
	v1 =	vld [tilespmem:s9+$0x30]  }
0x6e: {  	v4 =	vmul.f32 v4, v4;
	v36 =	vadd.f32 v36, v47;
	v52 =	vadd.f32 v54, v52;
	v54 =	vld [tilespmem:s9+$0xFFFFFFC0]  }
0x6f: {  	v6 =	vmul.f32 v6, v6;
	v21 =	vadd.f32 v21, v26;
	v25 =	vadd.f32 v20, v25;
	v20 =	vld [tilespmem:s9+$0x250]  }
0x70: {  	v37 =	vmul.f32 v37, v37;
	v39 =	vmul.f32 v39, v39;
	v24 =	vadd.f32 v18, v24;
	v18 =	vld [tilespmem:s9+$0x2D0]  }
0x71: {  	v43 =	vmul.f32 v43, v43;
	v17 =	vadd.f32 v17, v21;
	v21 =	vld [tilespmem:s9+$0x350];
	v16 =	vadd.f32 v16, v22  }
0x72: {  	v56 =	vmul.f32 v59, v59;
	v22 =	vld [tilespmem:s9+$0x3D0];
	v37 =	vadd.f32 v37, v40;
	v39 =	vadd.f32 v39, v44  }
0x73: {  	v40 =	vld [tilespmem:s9+$0xB0];
	v43 =	vadd.f32 v43, v48;
	v31 =	vmul.f32 v31, v31;
	v33 =	vmul.f32 v33, v33  }
0x74: {  	v48 =	vld [tilespmem:s9+$0x1B0];
	v34 =	vadd.f32 v56, v41;
	v45 =	vmul.f32 v2, v2;
	v30 =	vmul.f32 v30, v30  }
0x75: {  	v56 =	vld [tilespmem:s9+$0xC0];
	v31 =	vadd.f32 v31, v37;
	v28 =	vmul.f32 v28, v28;
	v29 =	vmul.f32 v29, v29  }
0x76: {  	v2 =	vld [tilespmem:s9+$0x130];
	v33 =	vadd.f32 v33, v39;
	v42 =	vmul.f32 v42, v42;
	v46 =	vmul.f32 v46, v46  }
0x77: {  	v45 =	vadd.f32 v45, v52;
	v52 =	vmul.f32 v58, v58;
	v58 =	vmul.f32 v0, v0;
	v0 =	vld [tilespmem:s9+$0x3B0]  }
0x78: {  	v23 =	vadd.f32 v19, v23;
	v50 =	vmul.f32 v50, v50;
	v59 =	vmul.f32 v1, v1;
	v1 =	vld [tilespmem:s9+$0xFFFFFEC0]  }
0x79: {  	v26 =	vmul.f32 v54, v54;
	v54 =	vld [tilespmem:s9+$0xFFFFFF60];
	v28 =	vadd.f32 v28, v31;
	v29 =	vadd.f32 v29, v33  }
0x7a: {  	v31 =	vld [tilespmem:s9+$0xD0];
	v20 =	vmul.f32 v20, v20;
	v42 =	vadd.f32 v42, v55;
	v46 =	vadd.f32 v46, v57  }
0x7b: {  	v18 =	vmul.f32 v18, v18;
	v38 =	vadd.f32 v50, v38;
	v57 =	vld [tilespmem:s9+$0x330];
	v32 =	vadd.f32 v52, v36  }
0x7c: {  	v40 =	vmul.f32 v40, v40;
	v47 =	vadd.f32 v58, v49;
	v52 =	vld [tilespmem:s9+$0xFFFFFF40];
	v48 =	vmul.f32 v48, v48  }
0x7d: {  	v55 =	vld [tilespmem:s9+$0x40];
	v44 =	vmul.f32 v2, v2;
	v2 =	vadd.f32 v59, v51;
	v28 =	vadd.f32 v20, v28  }
0x7e: {  	v37 =	vmul.f32 v56, v56;
	v49 =	vld [tilespmem:s9+$0x1D0];
	v56 =	vadd.f32 v18, v29;
	v18 =	vadd.f32 v14, v25  }
0x7f: {  	v27 =	vmul.f32 v27, v27;
	v51 =	vld [tilespmem:s9+$0xFFFFFE60];
	v14 =	vadd.f32 v13, v23;
	v40 =	vadd.f32 v40, v42  }
0x80: {  	v21 =	vmul.f32 v21, v21;
	v25 =	vld [tilespmem:s9+$0x160];
	v38 =	vadd.f32 v48, v38;
	v26 =	vadd.f32 v26, v47  }
0x81: {  	v42 =	vmul.f32 v10, v10;
	v53 =	vadd.f32 v44, v46;
	v41 =	vmul.f32 v1, v1;
	v1 =	vld [tilespmem:s9+$0xFFFFFF50]  }
0x82: {  	v47 =	vld [tilespmem:s9+$0x150];
	v36 =	vmul.f32 v0, v0;
	v13 =	vmul.f32 v54, v54;
	v37 =	vadd.f32 v37, v40  }
0x83: {  	v0 =	vld [tilespmem:s9+$0x3C0];
	v30 =	vadd.f32 v30, v38;
	v38 =	vmul.f32 v5, v5;
	v35 =	vmul.f32 v57, v57  }
0x84: {  	v46 =	vld [tilespmem:s9+$0x50];
	v36 =	vadd.f32 v36, v45;
	v58 =	vmul.f32 v52, v52;
	v59 =	vmul.f32 v55, v55  }
0x85: {  	v57 =	vld [tilespmem:s9+$0x140];
	v32 =	vadd.f32 v41, v32;
	v29 =	vmul.f32 v51, v51;
	v25 =	vmul.f32 v25, v25  }
0x86: {  	v55 =	vld [tilespmem:s9+$0xFFFFFFE0];
	v35 =	vadd.f32 v35, v43;
	v34 =	vadd.f32 v58, v34;
	v19 =	vmul.f32 v1, v1  }
0x87: {  	v41 =	vadd.f32 v59, v2;
	v2 =	vld [tilespmem:s9+$0xFFFFFFD0];
	v32 =	vadd.f32 v15, v32;
	v33 =	vmul.f32 v47, v47  }
0x88: {  	v15 =	vld [tilespmem:s9+$0xFFFFFDE0];
	v43 =	vmul.f32 v11, v11;
	v34 =	vadd.f32 v19, v34;
	v19 =	vmul.f32 v31, v31  }
0x89: {  	v52 =	vld [tilespmem:s9+$0xFFFFFEE0];
	v48 =	vmul.f32 v0, v0;
	v40 =	vmul.f32 v46, v46;
	v27 =	vadd.f32 v27, v35  }
0x8a: {  	v23 =	vld [tilespmem:s9+$0x1E0];
	v16 =	vadd.f32 v29, v16;
	v37 =	vadd.f32 v19, v37;
	v19 =	vmul.f32 v49, v49  }
0x8b: {  	v39 =	vmul.f32 v57, v57;
	v36 =	vadd.f32 v48, v36;
	v20 =	vadd.f32 v21, v27;
	v27 =	vld [tilespmem:s9+$0xE0]  }
0x8c: {  	v29 =	vmul.f32 v55, v55;
	v30 =	vadd.f32 v19, v30;
	v19 =	vmul.f32 v22, v22;
	v22 =	vld [tilespmem:s9+$0x60]  }
0x8d: {  	v58 =	vld [tilespmem:s9+$0x360];
	v31 =	vadd.f32 v40, v41;
	v50 =	vmul.f32 v2, v2;
	v15 =	vmul.f32 v15, v15  }
0x8e: {  	v21 =	vadd.f32 v19, v36;
	v19 =	vadd.f32 v12, v24;
	v12 =	vmul.f32 v52, v52;
	v24 =	vld [tilespmem:s9+$0x260]  }
0x8f: {  	v57 =	vld [tilespmem:s9+$0x2E0];
	v40 =	vmul.f32 v8, v8;
	v39 =	vadd.f32 v39, v53;
	v26 =	vadd.f32 v50, v26  }
0x90: {  	v59 =	vld [tilespmem:s9+$0x70];
	v15 =	vadd.f32 v15, v17;
	v27 =	vmul.f32 v27, v27;
	v17 =	vadd.f32 v12, v32  }
0x91: {  	v12 =	vadd.f32 v13, v34;
	v13 =	vadd.f32 v29, v26;
	v26 =	vld [tilespmem:s9+$0x3E0];
	v22 =	vmul.f32 v22, v22  }
0x92: {  	v53 =	vadd.f32 v33, v39;
	v39 =	vmul.f32 v7, v7;
	v33 =	vld [tilespmem:s9+$0xF0];
	v29 =	vmul.f32 v23, v23  }
0x93: {  	v23 =	vadd.f32 v27, v37;
	v22 =	vadd.f32 v22, v31;
	v27 =	vmul.f32 v24, v24;
	v31 =	vld [tilespmem:s9+$0x170]  }
0x94: {  	v32 =	vmul.f32 v57, v57;
	v24 =	vadd.f32 v25, v53;
	v25 =	vadd.f32 v29, v30;
	v29 =	vld [tilespmem:s9+$0x1F0]  }
0x95: {  	v37 =	vmul.f32 v9, v9;
	v34 =	vmul.f32 v58, v58;
	v30 =	vld [tilespmem:s9+$0x270];
	v27 =	vadd.f32 v27, v28  }
0x96: {  	s11 =	simm.s32 $0x40;
	s10 =	simm.s32 $0x0;
	v35 =	vmul.f32 v26, v26;
	v28 =	vmul.f32 v59, v59;
	v26 =	vadd.f32 v32, v56;
	v32 =	vld [tilespmem:s9+$0x2F0]  }
.LBB2_2:
0x97: {  	_ =	sdelay $0x2  }
0x98: {  	v56 =	vld [tilespmem:s9+$0x370];
	v20 =	vadd.f32 v34, v20;
	v21 =	vadd.f32 v35, v21  }
0x99: {  	v18 =	vadd.f32 v4, v18;
	v6 =	vadd.f32 v6, v19;
	v19 =	vmul.f32 v31, v31;
	v31 =	vld [tilespmem:s9+$0x3F0];
	s9 =	sadd.s32 $0x800, s9  }
0x9a: {  	v33 =	vmul.f32 v33, v33;
	v57 =	vadd.f32 v38, v14;
	v36 =	vadd.f32 v39, v15;
	v4 =	vld [tilespmem:s9+$0xFFFFFC70]  }
0x9b: {  	v14 =	vmul.f32 v29, v29;
	v29 =	vadd.f32 v40, v16;
	v37 =	vadd.f32 v37, v17;
	v5 =	vld [tilespmem:s9+$0xFFFFFCF0]  }
0x9c: {  	v15 =	vmul.f32 v30, v30;
	v30 =	vadd.f32 v42, v12;
	v58 =	vadd.f32 v43, v13;
	v7 =	vld [tilespmem:s9+$0xFFFFFD70]  }
0x9d: {  	v12 =	vmul.f32 v32, v32;
	v16 =	vadd.f32 v28, v22;
	v8 =	vld [tilespmem:s9+$0xFFFFFDF0];
	v17 =	vadd.f32 v33, v23  }
0x9e: {  	v13 =	vmul.f32 v56, v56;
	v9 =	vld [tilespmem:s9+$0xFFFFFE70];
	v19 =	vadd.f32 v19, v24;
	v22 =	vadd.f32 v14, v25  }
0x9f: {  	v10 =	vld [tilespmem:s9+$0xFFFFFEF0];
	v23 =	vadd.f32 v15, v27;
	v15 =	vperm.xlane v18, v60;
	v24 =	vperm.xlane v16, v60  }
0xa0: {  	v11 =	vld [tilespmem:s9+$0xFFFFFF70];
	v25 =	vadd.f32 v12, v26;
	v26 =	vperm.xlane v6, v60;
	v1 =	vperm.xlane v29, v60  }
0xa1: {  	v38 =	vld [tilespmem:s9+$0xFFFFFED0];
	v45 =	vperm.xlane v30, v60;
	v28 =	vadd.f32 v13, v20;
	v20 =	vperm.xlane v57, v60  }
0xa2: {  	v34 =	vld [tilespmem:s9+$0xFFFFFCC0];
	v27 =	vperm.xlane v17, v60;
	v0 =	vperm.xlane v22, v60;
	v18 =	vadd.f32 v15, v18  }
0xa3: {  	v32 =	vld [tilespmem:s9+$0xFFFFFD40];
	v2 =	vperm.xlane v23, v60;
	v24 =	vadd.f32 v24, v16;
	v6 =	vadd.f32 v26, v6  }
0xa4: {  	v41 =	vld [tilespmem:s9+$0xFFFFFEC0];
	v26 =	vperm.xlane v37, v60;
	v44 =	vperm.xlane v25, v60;
	v29 =	vadd.f32 v1, v29  }
0xa5: {  	v42 =	vld [tilespmem:s9+$0xFFFFFFC0];
	v30 =	vadd.f32 v45, v30;
	v14 =	vmul.f32 v31, v31;
	v35 =	vadd.f32 v20, v57  }
0xa6: {  	v43 =	vld [tilespmem:s9+$0xFFFFFC30];
	v31 =	vperm.xlane v19, v60;
	v27 =	vadd.f32 v27, v17;
	v33 =	vadd.f32 v0, v22  }
0xa7: {  	v12 =	vld [tilespmem:s9+$0xFFFFFFF0];
	v46 =	vperm.xlane v28, v60;
	v39 =	vadd.f32 v2, v23;
	v37 =	vadd.f32 v26, v37  }
0xa8: {  	v13 =	vld [tilespmem:s9+$0xFFFFFC60];
	v26 =	vperm.xlane v58, v60;
	v40 =	vadd.f32 v44, v25;
	v18 =	vsel vm2, v18, v24  }
0xa9: {  	v15 =	vld [tilespmem:s9+$0xFFFFFD60];
	v59 =	vadd.f32 v14, v21;
	v21 =	vperm.xlane v36, v60;
	v19 =	vadd.f32 v31, v19  }
0xaa: {  	v16 =	vld [tilespmem:s9+$0xFFFFFDE0];
	v28 =	vadd.f32 v46, v28;
	v50 =	vperm.xlane v18, v61;
	v48 =	vadd.f32 v26, v58  }
0xab: {  	v45 =	vld [tilespmem:s9+$0xFFFFFD30];
	v6 =	vsel vm2, v6, v27;
	v29 =	vsel vm2, v29, v39;
	v49 =	vsel vm2, v37, v40  }
0xac: {  	v20 =	vld [tilespmem:s9+$0xFFFFFEE0];
	v31 =	vadd.f32 v21, v36;
	v47 =	vperm.xlane v59, v60;
	v19 =	vsel vm2, v35, v19  }
0xad: {  	v17 =	vld [tilespmem:s9+$0xFFFFFE60];
	v51 =	vperm.xlane v29, v61;
	v28 =	vsel vm2, v30, v28;
	v30 =	vperm.xlane v6, v61  }
0xae: {  	v22 =	vld [tilespmem:s9+$0xFFFFFFE0];
	v37 =	vperm.xlane v49, v61;
	v18 =	vadd.f32 v50, v18;
	v24 =	vadd.f32 v47, v59  }
0xaf: {  	v23 =	vld [tilespmem:s9+$0xFFFFFC50];
	v52 =	vperm.xlane v19, v61;
	v53 =	vperm.xlane v28, v61;
	v27 =	vsel vm2, v31, v33  }
0xb0: {  	v25 =	vld [tilespmem:s9+$0xFFFFFCD0];
	v29 =	vadd.f32 v51, v29;
	v6 =	vadd.f32 v30, v6;
	v24 =	vsel vm2, v48, v24  }
0xb1: {  	v44 =	vld [tilespmem:s9+$0xFFFFFCB0];
	v30 =	vadd.f32 v37, v49;
	v54 =	vperm.xlane v27, v61;
	v55 =	vperm.xlane v24, v61  }
0xb2: {  	v14 =	vld [tilespmem:s9+$0xFFFFFCE0];
	v19 =	vadd.f32 v52, v19;
	v28 =	vadd.f32 v53, v28  }
0xb3: {  	v46 =	vld [tilespmem:s9+$0xFFFFFDB0];
	v27 =	vadd.f32 v54, v27;
	v24 =	vadd.f32 v55, v24  }
0xb4: {  	v26 =	vld [tilespmem:s9+$0xFFFFFD50];
	v18 =	vsel vm0, v18, v29;
	v6 =	vsel vm0, v6, v30;
	v19 =	vsel vm0, v19, v28  }
0xb5: {  	v40 =	vld [tilespmem:s9+$0xFFFFFF50];
	v30 =	vperm.xlane v6, v62;
	v29 =	vperm.xlane v19, v62;
	v24 =	vsel vm0, v27, v24  }
0xb6: {  	v39 =	vld [tilespmem:s9+$0xFFFFFE40];
	v27 =	vperm.xlane v18, v62;
	v56 =	vperm.xlane v24, v62  }
0xb7: {  	v21 =	vld [tilespmem:s9+$0xFFFFFF60];
	v6 =	vadd.f32 v30, v6;
	v19 =	vadd.f32 v29, v19  }
0xb8: {  	v36 =	vld [tilespmem:s9+$0xFFFFFE50];
	v18 =	vadd.f32 v27, v18;
	v24 =	vadd.f32 v56, v24  }
0xb9: {  	v35 =	vld [tilespmem:s9+$0xFFFFFFD0]  }
0xba: {  	v50 =	vld [tilespmem:s9+$0xFFFFFFB0];
	v18 =	vsel vm1, v18, v19;
	v6 =	vsel vm1, v6, v24  }
0xbb: {  	v31 =	vld [tilespmem:s9+$0xFFFFFDD0];
	v19 =	vperm.xlane v18, v63;
	v24 =	vperm.xlane v6, v63  }
0xbc: {  	v37 =	vld [tilespmem:s9+$0xFFFFFC40]  }
0xbd: {  	v47 =	vld [tilespmem:s9+$0xFFFFFE30];
	v18 =	vadd.f32 v19, v18;
	v6 =	vadd.f32 v24, v6  }
0xbe: {  	v49 =	vld [tilespmem:s9+$0xFFFFFF30]  }
0xbf: {  	v51 =	vld [tilespmem:s9+$0xFFFFFC20];
	v6 =	vsel vm3, v18, v6  }
0xc0: {  	v48 =	vld [tilespmem:s9+$0xFFFFFEB0];
	v6 =	vmul.f32 $-5.000000000e-01, v6  }
0xc1: {  	s12 =	sshra.s32 s10, $0x2;
	v28 =	vld [tilespmem:s9+$0xFFFFFDC0]  }
0xc2: {  	v57 =	vmul.f32 v5, v5;
	v29 =	vld [tilespmem:s9+$0xFFFFFF40];
	[tilespmem:s12+$0x10000] =	vst v6  }
0xc3: {  	v10 =	vmul.f32 v10, v10;
	v52 =	vld [tilespmem:s9+$0xFFFFFCA0]  }
0xc4: {  	[tilespmem:$0x1FFF0] =	vst v57;
	v58 =	vmul.f32 v7, v7;
	v53 =	vld [tilespmem:s9+$0xFFFFFD20]  }
0xc5: {  	[tilespmem:$0x1FEF0] =	vst v10;
	v57 =	vmul.f32 v13, v13;
	v54 =	vld [tilespmem:s9+$0xFFFFFDA0]  }
0xc6: {  	[tilespmem:$0x1FF00] =	vst v58;
	v59 =	vmul.f32 v8, v8;
	v55 =	vld [tilespmem:s9+$0xFFFFFE20]  }
0xc7: {  	[tilespmem:$0x1FF60] =	vst v57;
	v58 =	vmul.f32 v14, v14;
	v56 =	vld [tilespmem:s9+$0xFFFFFEA0]  }
0xc8: {  	[tilespmem:$0x1FEE0] =	vst v59;
	v59 =	vmul.f32 v15, v15;
	v57 =	vld [tilespmem:s9+$0xFFFFFF20]  }
0xc9: {  	v9 =	vmul.f32 v9, v9;
	[tilespmem:$0x1FF70] =	vst v58;
	v58 =	vld [tilespmem:s9+$0xFFFFFFA0]  }
0xca: {  	v10 =	vmul.f32 v17, v17;
	[tilespmem:$0x1FF80] =	vst v59;
	v59 =	vld [tilespmem:s9+$0xFFFFFC00]  }
0xcb: {  	[tilespmem:$0x1FF10] =	vst v9;
	v27 =	vmul.f32 v11, v11;
	v11 =	vmul.f32 v20, v20;
	v24 =	vmov v60;
	v60 =	vld [tilespmem:s9+$0xFFFFFC10]  }
0xcc: {  	v33 =	vmul.f32 v12, v12;
	[tilespmem:$0x1FFA0] =	vst v10;
	v10 =	vld [tilespmem:s9+$0xFFFFFC80]  }
0xcd: {  	v9 =	vmul.f32 v16, v16;
	[tilespmem:$0x1FFB0] =	vst v11;
	v11 =	vld [tilespmem:s9+$0xFFFFFC90]  }
0xce: {  	v0 =	vmul.f32 v4, v4;
	[tilespmem:$0x1FED0] =	vst v33;
	v33 =	vmul.f32 v21, v21;
	v20 =	vmov v63;
	v63 =	vld [tilespmem:s9+$0xFFFFFD00]  }
0xcf: {  	[tilespmem:$0x1FF90] =	vst v9;
	v9 =	vmul.f32 v22, v22;
	v22 =	vmul.f32 v25, v25;
	v3 =	vld [tilespmem:s9+$0xFFFFFD10]  }
0xd0: {  	v25 =	vmul.f32 v26, v26;
	[tilespmem:$0x1FFC0] =	vst v33;
	v33 =	vmul.f32 v36, v36;
	v2 =	vld [tilespmem:s9+$0xFFFFFD80]  }
0xd1: {  	v36 =	vmul.f32 v38, v38;
	v38 =	vmul.f32 v40, v40;
	v1 =	vld [tilespmem:s9+$0xFFFFFD90]  }
0xd2: {  	[tilespmem:$0x1FFE0] =	vst v0;
	v40 =	vmul.f32 v35, v35;
	v35 =	vmul.f32 v28, v28;
	v0 =	vld [tilespmem:s9+$0xFFFFFE00]  }
0xd3: {  	v28 =	vmul.f32 v29, v29;
	v29 =	vmul.f32 v42, v42;
	v5 =	vld [tilespmem:s9+$0xFFFFFE10]  }
0xd4: {  	v42 =	vmul.f32 v43, v43;
	v43 =	vmul.f32 v44, v44;
	v44 =	vld [tilespmem:s9+$0xFFFFFE80]  }
0xd5: {  	v30 =	vmul.f32 v32, v32;
	[tilespmem:$0x1FF50] =	vst v40;
	v40 =	vmul.f32 v45, v45;
	v45 =	vld [tilespmem:s9+$0xFFFFFE90]  }
0xd6: {  	v32 =	vmul.f32 v41, v41;
	v41 =	vmul.f32 v46, v46;
	v46 =	vld [tilespmem:s9+$0xFFFFFF00]  }
0xd7: {  	v26 =	vmul.f32 v31, v31;
	[tilespmem:$0x1FF30] =	vst v36;
	v36 =	vmul.f32 v47, v47;
	v47 =	vld [tilespmem:s9+$0xFFFFFF10]  }
0xd8: {  	v31 =	vmul.f32 v39, v39;
	v39 =	vmul.f32 v50, v50;
	v50 =	vld [tilespmem:s9+$0xFFFFFF80]  }
0xd9: {  	v6 =	vld [tilespmem:s9+$0x10]  }
0xda: {  	[tilespmem:$0x1FFD0] =	vst v9;
	v7 =	vld [tilespmem:s9+$0x80]  }
0xdb: {  	[tilespmem:$0x1FF20] =	vst v33;
	v33 =	vmul.f32 v37, v37;
	v8 =	vld [tilespmem:s9+$0x90]  }
0xdc: {  	[tilespmem:$0x1FF40] =	vst v38;
	v37 =	vmul.f32 v48, v48;
	v38 =	vmul.f32 v49, v49;
	v9 =	vld [tilespmem:s9+$0x100]  }
0xdd: {  	v48 =	vmul.f32 v51, v51;
	v4 =	vld [tilespmem:s9+$0x190];
	v49 =	vmul.f32 v52, v52  }
0xde: {  	v51 =	vmul.f32 v53, v53;
	v52 =	vmul.f32 v54, v54;
	v53 =	vld [tilespmem:s9+$0xFFFFFF90]  }
0xdf: {  	v54 =	vmul.f32 v55, v55;
	v55 =	vmul.f32 v56, v56;
	v56 =	vld [tilespmem:s9+$0x0]  }
0xe0: {  	v21 =	vmov v61;
	v61 =	vmul.f32 v10, v10;
	v10 =	vld [tilespmem:s9+$0x110]  }
0xe1: {  	v19 =	vmov v62;
	v62 =	vmul.f32 v11, v11;
	v11 =	vld [tilespmem:s9+$0x180]  }
0xe2: {  	v59 =	vmul.f32 v59, v59;
	v16 =	vmul.f32 v2, v2;
	v2 =	vld [tilespmem:s9+$0x200]  }
0xe3: {  	v60 =	vmul.f32 v60, v60;
	v17 =	vmul.f32 v0, v0;
	v0 =	vld [tilespmem:s9+$0x210]  }
0xe4: {  	v18 =	vmul.f32 v3, v3;
	v14 =	vmul.f32 v1, v1;
	v1 =	vld [tilespmem:s9+$0x280]  }
0xe5: {  	v15 =	vmul.f32 v5, v5;
	v44 =	vmul.f32 v44, v44;
	v3 =	vld [tilespmem:s9+$0x290]  }
0xe6: {  	v45 =	vmul.f32 v45, v45;
	v46 =	vmul.f32 v46, v46;
	v5 =	vld [tilespmem:s9+$0x300]  }
0xe7: {  	v13 =	vmul.f32 v6, v6;
	v6 =	vmul.f32 v4, v4;
	v4 =	vld [tilespmem:s9+$0x310]  }
0xe8: {  	v47 =	vmul.f32 v47, v47;
	v59 =	vadd.f32 v60, v59;
	v60 =	vadd.f32 v62, v61;
	v61 =	vld [tilespmem:s9+$0x390]  }
0xe9: {  	v12 =	vmul.f32 v7, v7;
	v8 =	vmul.f32 v8, v8;
	v14 =	vadd.f32 v14, v16;
	v16 =	vld [tilespmem:s9+$0x20]  }
0xea: {  	v63 =	vmul.f32 v63, v63;
	v15 =	vadd.f32 v15, v17;
	v17 =	vadd.f32 v45, v44;
	v44 =	vld [tilespmem:s9+$0xA0]  }
0xeb: {  	v57 =	vmul.f32 v57, v57;
	v45 =	vadd.f32 v47, v46;
	v8 =	vadd.f32 v8, v12;
	v12 =	vld [tilespmem:s9+$0x1A0]  }
0xec: {  	v18 =	vadd.f32 v18, v63;
	v17 =	vadd.f32 v55, v17;
	v55 =	vld [tilespmem:s9+$0x3B0]  }
0xed: {  	v45 =	vadd.f32 v57, v45;
	v57 =	vld [tilespmem:s9+$0xC0]  }
0xee: {  	v50 =	vmul.f32 v50, v50;
	v18 =	vadd.f32 v51, v18;
	v51 =	vld [tilespmem:s9+$0x250];
	v53 =	vmul.f32 v53, v53  }
0xef: {  	v7 =	vmul.f32 v2, v2;
	v2 =	vmul.f32 v0, v0;
	v0 =	vld [tilespmem:s9+$0x380]  }
0xf0: {  	v9 =	vmul.f32 v9, v9;
	v10 =	vmul.f32 v10, v10;
	v17 =	vadd.f32 v37, v17;
	v37 =	vld [tilespmem:$0x1FEF0]  }
0xf1: {  	v1 =	vmul.f32 v1, v1;
	v3 =	vmul.f32 v3, v3;
	v46 =	vadd.f32 v53, v50;
	v50 =	vld [tilespmem:s9+$0x120]  }
0xf2: {  	v5 =	vmul.f32 v5, v5;
	v4 =	vmul.f32 v4, v4;
	v9 =	vadd.f32 v10, v9;
	v10 =	vld [tilespmem:s9+$0x220]  }
0xf3: {  	v11 =	vmul.f32 v11, v11;
	v1 =	vadd.f32 v3, v1;
	v3 =	vld [tilespmem:s9+$0x2A0]  }
0xf4: {  	v15 =	vadd.f32 v54, v15;
	v4 =	vadd.f32 v4, v5;
	v5 =	vld [tilespmem:s9+$0x320]  }
0xf5: {  	v56 =	vmul.f32 v56, v56;
	v6 =	vadd.f32 v6, v11;
	v11 =	vadd.f32 v48, v59;
	v48 =	vld [tilespmem:s9+$0x3A0]  }
0xf6: {  	v2 =	vadd.f32 v2, v7;
	v7 =	vmul.f32 v44, v44;
	v44 =	vadd.f32 v49, v60;
	v49 =	vld [tilespmem:s9+$0x30]  }
0xf7: {  	v18 =	vadd.f32 v40, v18;
	v13 =	vadd.f32 v13, v56;
	v56 =	vld [tilespmem:s9+$0xB0]  }
0xf8: {  	v15 =	vadd.f32 v36, v15;
	v59 =	vld [tilespmem:s9+$0x130]  }
0xf9: {  	v18 =	vadd.f32 v30, v18;
	v30 =	vld [tilespmem:s9+$0x50]  }
0xfa: {  	v15 =	vadd.f32 v31, v15;
	v31 =	vld [tilespmem:s9+$0xD0]  }
0xfb: {  	v14 =	vadd.f32 v52, v14;
	v12 =	vmul.f32 v12, v12;
	v17 =	vadd.f32 v32, v17;
	v32 =	vld [tilespmem:s9+$0x2F0]  }
0xfc: {  	v58 =	vmul.f32 v58, v58;
	v7 =	vadd.f32 v7, v8;
	v8 =	vld [tilespmem:s9+$0x1B0]  }
0xfd: {  	v14 =	vadd.f32 v41, v14;
	v6 =	vadd.f32 v12, v6;
	v12 =	vld [tilespmem:s9+$0x230]  }
0xfe: {  	v46 =	vadd.f32 v58, v46;
	v58 =	vadd.f32 v38, v45;
	v45 =	vld [tilespmem:s9+$0x140]  }
0xff: {  	v14 =	vadd.f32 v35, v14;
	v38 =	vld [tilespmem:$0x1FF00]  }
0x100: {  	v11 =	vadd.f32 v42, v11;
	v42 =	vmov v27;
	v27 =	vld [tilespmem:s9+$0x3D0]  }
0x101: {  	v26 =	vadd.f32 v26, v14;
	v14 =	vld [tilespmem:s9+$0x60]  }
0x102: {  	v25 =	vadd.f32 v25, v18;
	v18 =	vld [tilespmem:$0x1FF20]  }
0x103: {  	v53 =	vmul.f32 v61, v61;
	v0 =	vmul.f32 v0, v0;
	v28 =	vadd.f32 v28, v58;
	v58 =	vld [tilespmem:$0x1FF90]  }
0x104: {  	v11 =	vadd.f32 v33, v11;
	v33 =	vld [tilespmem:s9+$0xF0]  }
0x105: {  	v0 =	vadd.f32 v53, v0;
	v53 =	vmul.f32 v56, v56;
	v56 =	vld [tilespmem:s9+$0x40]  }
0x106: {  	v54 =	vmul.f32 v59, v59;
	v59 =	vadd.f32 v39, v46;
	v46 =	vld [tilespmem:s9+$0x1C0]  }
0x107: {  	v16 =	vmul.f32 v16, v16;
	v39 =	vld [tilespmem:$0x1FEE0]  }
0x108: {  	v3 =	vmul.f32 v3, v3;
	v52 =	vmul.f32 v49, v49;
	v49 =	vld [tilespmem:s9+$0x3C0]  }
0x109: {  	v47 =	vmul.f32 v50, v50;
	v5 =	vmul.f32 v5, v5;
	v50 =	vld [tilespmem:s9+$0x150]  }
0x10a: {  	v13 =	vadd.f32 v16, v13;
	v16 =	vmul.f32 v48, v48;
	v1 =	vadd.f32 v3, v1;
	v3 =	vld [tilespmem:s9+$0x2B0]  }
0x10b: {  	v10 =	vmul.f32 v10, v10;
	v9 =	vadd.f32 v47, v9;
	v4 =	vadd.f32 v5, v4;
	v5 =	vld [tilespmem:s9+$0x330]  }
0x10c: {  	v0 =	vadd.f32 v16, v0;
	v16 =	vadd.f32 v43, v44;
	v8 =	vmul.f32 v8, v8;
	v43 =	vld [tilespmem:$0x1FED0]  }
0x10d: {  	v2 =	vadd.f32 v10, v2;
	v12 =	vmul.f32 v12, v12;
	v47 =	vmul.f32 v55, v55;
	v55 =	vld [tilespmem:$0x1FF70]  }
0x10e: {  	v34 =	vmul.f32 v34, v34;
	v7 =	vadd.f32 v53, v7;
	v29 =	vadd.f32 v29, v59;
	v59 =	vld [tilespmem:s9+$0x70]  }
0x10f: {  	v6 =	vadd.f32 v8, v6;
	v8 =	vld [tilespmem:s9+$0x240];
	v2 =	vadd.f32 v12, v2;
	v12 =	vmul.f32 v57, v57  }
0x110: {  	v9 =	vadd.f32 v54, v9;
	v16 =	vadd.f32 v34, v16;
	v54 =	vld [tilespmem:$0x1FF60]  }
0x111: {  	v13 =	vadd.f32 v52, v13;
	v40 =	vmul.f32 v56, v56;
	v7 =	vadd.f32 v12, v7;
	v12 =	vld [tilespmem:s9+$0x1D0]  }
0x112: {  	v16 =	vadd.f32 v22, v16;
	v22 =	vadd.f32 v18, v15;
	v15 =	vld [tilespmem:$0x1FF30];
	v3 =	vmul.f32 v3, v3  }
0x113: {  	v30 =	vmul.f32 v30, v30;
	v0 =	vadd.f32 v47, v0;
	v18 =	vld [tilespmem:$0x1FF40];
	v5 =	vmul.f32 v5, v5  }
0x114: {  	v52 =	vmul.f32 v49, v49;
	v13 =	vadd.f32 v40, v13;
	v1 =	vadd.f32 v3, v1;
	v3 =	vld [tilespmem:s9+$0x2C0]  }
0x115: {  	v10 =	vmul.f32 v46, v46;
	v4 =	vadd.f32 v5, v4;
	v5 =	vld [tilespmem:s9+$0x340]  }
0x116: {  	v57 =	vld [tilespmem:$0x1FF80];
	v0 =	vadd.f32 v52, v0;
	v30 =	vadd.f32 v30, v13;
	v13 =	vmul.f32 v27, v27  }
0x117: {  	v23 =	vmul.f32 v23, v23;
	v17 =	vadd.f32 v15, v17;
	v15 =	vld [tilespmem:s9+$0xE0]  }
0x118: {  	v61 =	vmovc v21;
	v6 =	vadd.f32 v10, v6;
	v12 =	vmul.f32 v12, v12;
	v21 =	vadd.f32 v13, v0;
	v13 =	vld [tilespmem:$0x1FFA0]  }
0x119: {  	v11 =	vadd.f32 v23, v11;
	v23 =	vadd.f32 v18, v28;
	v18 =	vld [tilespmem:$0x1FF50];
	v3 =	vmul.f32 v3, v3  }
0x11a: {  	v6 =	vadd.f32 v12, v6;
	v12 =	vld [tilespmem:s9+$0x260];
	v5 =	vmul.f32 v5, v5  }
0x11b: {  	v8 =	vmul.f32 v8, v8;
	v1 =	vadd.f32 v3, v1;
	v3 =	vld [tilespmem:s9+$0x2D0]  }
0x11c: {  	v62 =	vmov v19;
	v19 =	vadd.f32 v55, v16;
	v4 =	vadd.f32 v5, v4;
	v5 =	vld [tilespmem:s9+$0x350]  }
0x11d: {  	v2 =	vadd.f32 v8, v2;
	v8 =	vmul.f32 v31, v31;
	v16 =	vadd.f32 v13, v22;
	v13 =	vld [tilespmem:$0x1FFB0]  }
0x11e: {  	v40 =	vld [tilespmem:$0x1FF10]  }
0x11f: {  	v48 =	vmul.f32 v45, v45;
	v7 =	vadd.f32 v8, v7;
	v8 =	vld [tilespmem:s9+$0x1E0]  }
0x120: {  	v60 =	vmovc v24;
	v24 =	vmul.f32 v50, v50;
	v28 =	vadd.f32 v18, v29;
	v29 =	vld [tilespmem:s9+$0x160];
	v53 =	vmul.f32 v15, v15  }
0x121: {  	v15 =	vadd.f32 v58, v26;
	v26 =	vmul.f32 v12, v12;
	v12 =	vld [tilespmem:$0x1FFC0];
	v3 =	vmul.f32 v3, v3  }
0x122: {  	v9 =	vadd.f32 v48, v9;
	v5 =	vmul.f32 v5, v5;
	v17 =	vadd.f32 v13, v17;
	v13 =	vld [tilespmem:$0x1FFD0]  }
0x123: {  	v10 =	vmul.f32 v51, v51;
	v1 =	vadd.f32 v3, v1;
	v3 =	vld [tilespmem:s9+$0x2E0]  }
0x124: {  	v63 =	vmovc v20;
	v9 =	vadd.f32 v24, v9;
	v24 =	vmul.f32 v14, v14;
	v20 =	vadd.f32 v5, v4;
	v4 =	vld [tilespmem:s9+$0x360]  }
0x125: {  	p0 =	sne.s32 s11, $0x7C0;
	v14 =	vadd.f32 v57, v25;
	v2 =	vadd.f32 v10, v2;
	v8 =	vmul.f32 v8, v8;
	v5 =	vld [tilespmem:s9+$0x3E0]  }
.Ltmp0:
0x126: {  	v31 =	vld [tilespmem:s9+$0x170];
	v18 =	vadd.f32 v54, v11;
	v22 =	vadd.f32 v24, v30;
	(pc) =	sbr.rel @p0 .LBB2_2-.Ltmp0, $4  }
0x127: {  	v30 =	vld [tilespmem:s9+$0x270];
	v25 =	vadd.f32 v8, v6;
	v27 =	vadd.f32 v26, v2;
	v56 =	vmul.f32 v29, v29  }
0x128: {  	v6 =	vld [tilespmem:$0x1FFF0];
	v12 =	vadd.f32 v12, v23;
	v23 =	vadd.f32 v53, v7;
	v3 =	vmul.f32 v3, v3  }
0x129: {  	v29 =	vld [tilespmem:s9+$0x1F0];
	v24 =	vadd.f32 v56, v9;
	v13 =	vadd.f32 v13, v28;
	v28 =	vmul.f32 v59, v59  }
0x12a: {  	s10 =	smov.u32 s11;
	s11 =	sadd.s32 $0x40, s11;
	v34 =	vmul.f32 v4, v4;
	v4 =	vld [tilespmem:$0x1FFE0];
	v35 =	vmul.f32 v5, v5;
	v26 =	vadd.f32 v3, v1  }
0x12b: {  	v8 =	vadd.f32 v38, v14;
	v9 =	vadd.f32 v39, v15  }
0x12c: {  	v0 =	vmul.f32 v33, v33;
	v11 =	vadd.f32 v40, v16;
	v55 =	vadd.f32 v37, v17  }
0x12d: {  	v54 =	vmul.f32 v31, v31;
	v12 =	vadd.f32 v42, v12;
	v13 =	vadd.f32 v43, v13  }
0x12e: {  	v57 =	vmul.f32 v32, v32;
	v58 =	vadd.f32 v28, v22;
	v1 =	vadd.f32 v34, v20  }
0x12f: {  	v3 =	vadd.f32 v35, v21;
	v56 =	vmul.f32 v30, v30;
	v5 =	vadd.f32 v6, v19  }
0x130: {  	v0 =	vadd.f32 v0, v23;
	v59 =	vperm.xlane v58, v60;
	v30 =	vperm.xlane v8, v60  }
0x131: {  	v2 =	vld [tilespmem:s9+$0x370];
	v6 =	vadd.f32 v54, v24;
	v32 =	vperm.xlane v9, v60;
	v34 =	vperm.xlane v11, v60  }
0x132: {  	v7 =	vld [tilespmem:s9+$0x3F0];
	v16 =	vadd.f32 v57, v26;
	v36 =	vperm.xlane v55, v60;
	v38 =	vperm.xlane v12, v60  }
0x133: {  	v40 =	vperm.xlane v13, v60;
	v10 =	vmul.f32 v29, v29;
	v15 =	vadd.f32 v56, v27  }
0x134: {  	v4 =	vadd.f32 v4, v18;
	v28 =	vperm.xlane v5, v60;
	v29 =	vperm.xlane v0, v60  }
0x135: {  	v31 =	vperm.xlane v6, v60;
	v17 =	vadd.f32 v59, v58;
	v11 =	vadd.f32 v34, v11  }
0x136: {  	v14 =	vadd.f32 v36, v55;
	v13 =	vadd.f32 v40, v13;
	v2 =	vmul.f32 v2, v2  }
0x137: {  	v10 =	vadd.f32 v10, v25;
	v7 =	vmul.f32 v7, v7;
	v5 =	vadd.f32 v28, v5  }
0x138: {  	v37 =	vperm.xlane v16, v60;
	v0 =	vadd.f32 v29, v0;
	v6 =	vadd.f32 v31, v6  }
0x139: {  	v35 =	vperm.xlane v15, v60;
	v1 =	vadd.f32 v2, v1;
	v3 =	vadd.f32 v7, v3  }
0x13a: {  	v18 =	vperm.xlane v4, v60;
	v2 =	vadd.f32 v30, v8;
	v7 =	vadd.f32 v32, v9  }
0x13b: {  	v33 =	vperm.xlane v10, v60;
	v15 =	vadd.f32 v35, v15;
	v8 =	vadd.f32 v37, v16  }
0x13c: {  	v9 =	vadd.f32 v38, v12;
	v4 =	vadd.f32 v18, v4;
	v0 =	vsel vm2, v5, v0  }
0x13d: {  	v10 =	vadd.f32 v33, v10;
	v39 =	vperm.xlane v1, v60;
	v41 =	vperm.xlane v3, v60  }
0x13e: {  	v2 =	vsel vm2, v2, v6;
	v43 =	vsel vm2, v11, v15;
	v44 =	vsel vm2, v14, v8  }
0x13f: {  	v47 =	vperm.xlane v0, v61;
	v4 =	vsel vm2, v4, v17;
	v46 =	vperm.xlane v43, v61  }
0x140: {  	v48 =	vperm.xlane v44, v61;
	v49 =	vperm.xlane v2, v61;
	v1 =	vadd.f32 v39, v1  }
0x141: {  	v3 =	vadd.f32 v41, v3;
	v42 =	vsel vm2, v7, v10;
	v45 =	vperm.xlane v4, v61  }
0x142: {  	v0 =	vadd.f32 v47, v0;
	v6 =	vadd.f32 v46, v43;
	v51 =	vperm.xlane v42, v61  }
0x143: {  	v7 =	vadd.f32 v48, v44;
	v1 =	vsel vm2, v9, v1;
	v3 =	vsel vm2, v13, v3  }
0x144: {  	v2 =	vadd.f32 v49, v2;
	v50 =	vperm.xlane v1, v61;
	v52 =	vperm.xlane v3, v61  }
0x145: {  	v4 =	vadd.f32 v45, v4;
	v5 =	vadd.f32 v51, v42  }
0x146: {  	v0 =	vsel vm0, v0, v7;
	v1 =	vadd.f32 v50, v1;
	v3 =	vadd.f32 v52, v3  }
0x147: {  	v4 =	vsel vm0, v4, v6;
	v56 =	vperm.xlane v0, v62  }
0x148: {  	v54 =	vperm.xlane v4, v62;
	v1 =	vsel vm0, v2, v1;
	v53 =	vsel vm0, v5, v3  }
0x149: {  	v55 =	vperm.xlane v1, v62;
	v57 =	vperm.xlane v53, v62  }
0x14a: {  	v0 =	vadd.f32 v56, v0;
	v3 =	vadd.f32 v54, v4  }
0x14b: {  	v1 =	vadd.f32 v55, v1;
	v2 =	vadd.f32 v57, v53;
	_ =	sdelay $0x1  }
0x14c: {  	v1 =	vsel vm1, v3, v1;
	v0 =	vsel vm1, v0, v2  }
0x14d: {  	v58 =	vperm.xlane v1, v63;
	v59 =	vperm.xlane v0, v63;
	_ =	sdelay $0x1  }
0x14e: {  	v1 =	vadd.f32 v58, v1;
	v0 =	vadd.f32 v59, v0;
	_ =	sdelay $0x1  }
0x14f: {  	v0 =	vsel vm3, v1, v0  }
0x150: {  	s8 =	sadd.s32 $0x1, s8;
	v0 =	vmul.f32 $-5.000000000e-01, v0  }
0x151: {  	s31 =	sshra.s32 s10, $0x2;
	p0 =	sne.s32 s8, s5  }
.Ltmp1:
0x152: {  	[tilespmem:s31+$0x10000] =	vst v0;
	(pc) =	sbr.rel @p0 .LBB2_1-.Ltmp1, $4  }
0x153: {  	[hbm4b:s4+s1] =	stream.linear.scatter [tilespmem:s7], [sflag:$0x1], $0x200, $0x38;
	[tilespmem:$0x10200] =	vst v63  }
0x154: {  	_ =	swait.ge [sflag:s6], $0x200  }
0x155: {  	[sflag:s6] =	ssyncset.done $0x0  }
0x156: {  	[sflag:s6] =	ssyncadd.s32 $0xFFFFFE00  }
0x157: {  	_ =	sfence.sel $0x180000  }
0x158: {  	[bflag:$0x0] =	sbarrier.arrive $0xFFFF  }
0x159: {  	p0 =	sne.s32 s2, $0x0;
	_ =	strace $0x90000047  }
0x15a: {  	s0 =	sadd.s32 @!p0 $0x100000, s0;
	[bflag:$0x2] =	sbarrier.arrive $0xFFFF  }
0x15b: {  	[sflag:s0] =	ssyncadd.tile.s32 @!p0 $0x1;
	_ =	shalt  }
.Lfunc_end2:
_tile_overlayer_lowered:
.L_overlay_start_2:
0x15c: {  	(tag) =	ssettag $0x2  }
0x15d: {  	s0 =	rddreg [dreg:$0x0];
	s2 =	stileid.u32  }
0x15e: {  	s1 =	rddreg [dreg:$0x1];
	p0 =	sne.s32 s2, $0x0  }
0x15f: {  	s3 =	rddreg [dreg:$0x2];
	[bflag:$0x3] =	sbarrier.arrive $0xFFFF;
	s2 =	simm.s32 @!p0 $0x1C01  }
0x160: {  	[timem:s3], [sflag:s2] =	dma.local @!p0 [hbm:s0], s1  }
0x161: {  	s0 =	simm.s32 @!p0 $0x1  }
0x162: {  	_ =	swait.ge @!p0 [sflag:s0], s1  }
0x163: {  	s1 =	ssub.s32 @!p0 $0x0, s1;
	[sflag:s0] =	ssyncset.done @!p0 $0x0  }
0x164: {  	[sflag:s0] =	ssyncadd.s32 @!p0 s1  }
0x165: {  	[bflag:$0x3] =	sbarrier.arrive $0xFFFF  }
0x166: {  	_ =	shalt  }

</sc_bundles>
